<compile_context>
chip_gen: v7x
topology: tpu7x:2x2x1
jax: 0.10.2.dev20260603
libtpu: 0.0.44.dev20260713+nightly
codegen_flags: <defaults>
</compile_context>

<pallas_src>
import functools

import jax
import jax.numpy as jnp
from jax import lax
from jax.experimental import pallas as pl
from jax.experimental.pallas import tpu as pltpu
from jax.experimental.pallas import tpu_sc as plsc


def _make_sc_onehot(B, M):
    nc, ns, lanes = 2, 16, 16
    assert B == nc * ns and M % lanes == 0

    @functools.partial(
        pl.kernel,
        mesh=plsc.VectorSubcoreMesh(core_axis_name="c", subcore_axis_name="s"),
        out_type=jax.ShapeDtypeStruct((B, M), jnp.int32),
        scratch_types=[
            pltpu.VMEM((B,), jnp.int32),
            pltpu.VMEM((M,), jnp.int32),
        ],
    )
    def _sc_onehot(t_hbm, tgt_hbm, tvec, row):
        wid = lax.axis_index("s") * nc + lax.axis_index("c")
        pltpu.sync_copy(t_hbm, tvec)
        lane = lax.broadcasted_iota(jnp.int32, (lanes,), 0)
        trow0 = tvec[pl.ds(0, lanes)]
        trow1 = tvec[pl.ds(lanes, lanes)]
        trow = jnp.where((wid // lanes) == 1, trow1, trow0)
        idxv = lane * 0 + (wid % lanes)
        tw_vec = lax.gather(
            trow, idxv[:, None],
            lax.GatherDimensionNumbers(
                offset_dims=(), collapsed_slice_dims=(0,),
                start_index_map=(0,)),
            slice_sizes=(1,),
            mode=lax.GatherScatterMode.PROMISE_IN_BOUNDS)
        for k in range(M // lanes):
            row[pl.ds(k * lanes, lanes)] = \
                jnp.where(k * lanes + lane == tw_vec, 1, 0)
        pltpu.sync_copy(row, tgt_hbm.at[wid])

    return _sc_onehot


def _dot_t(a, b):
    return lax.dot_general(a, b, (((1,), (1,)), ((), ())),
                           preferred_element_type=jnp.float32)


def _verif_block(f_ref, t_ref, bank0_ref, bank1_ref, wt_ref, b_ref,
                 out0_ref, out1_ref,
                 fw_scr, ffx_scr, a_scr,
                 *, block_m: int):
    j = pl.program_id(0)
    B = f_ref.shape[0]
    inv_b = 1.0 / B
    t = t_ref[...]

    @pl.when(j == 0)
    def _prologue():
        f = f_ref[...]
        wt = wt_ref[...]
        bias = b_ref[...]
        fb = f * inv_b
        fw = jnp.concatenate([f * wt[0, :][None, :], f * wt[1, :][None, :]],
                             axis=0)
        fw_scr[...] = fw
        tc = t.reshape(B, 1)
        p = (tc == t).astype(jnp.float32)
        rows = lax.broadcasted_iota(jnp.int32, (B, B), 0)
        cols = lax.broadcasted_iota(jnp.int32, (B, B), 1)
        before = jnp.where(cols < rows, p, 0.0)
        rep = (jnp.sum(before, axis=1) == 0.0).astype(jnp.float32)
        dm = lax.dot_general(p, fb, (((1,), (0,)), ((), ())),
                             preferred_element_type=jnp.float32)
        ffd = _dot_t(fw, dm)
        dm2 = dm * dm
        rc2_0 = jnp.sum(dm2 * wt[0, :][None, :], axis=1)
        rc2_1 = jnp.sum(dm2 * wt[1, :][None, :], axis=1)
        ffx = jnp.concatenate(
            [ffd, rc2_0[None, :], rc2_1[None, :],
             jnp.zeros((6, B), jnp.float32)], axis=0)
        ffx_scr[...] = ffx * rep[None, :]
        f2 = f * f
        a0 = jnp.sum(f2 * wt[0, :][None, :], axis=1) + bias[0, 0]
        a1 = jnp.sum(f2 * wt[1, :][None, :], axis=1) + bias[0, 1]
        a_scr[...] = jnp.concatenate(
            [a0[None, :], a1[None, :], jnp.zeros((6, B), jnp.float32)], axis=0)

    wt = wt_ref[...]
    fw = fw_scr[...]
    ffx = ffx_scr[...]
    a = a_scr[...]
    two_inv_b = 2.0 * inv_b

    outs0 = []
    outs1 = []
    for s, bank_ref in ((0, bank0_ref), (1, bank1_ref)):
        bank_blk = bank_ref[...]
        bank2 = bank_blk * bank_blk

        cross_b = _dot_t(fw, bank_blk)
        s_b = _dot_t(wt, bank2)
        m_cols = ((2 * j + s) * block_m
                  + lax.broadcasted_iota(jnp.int32, (B, block_m), 1))
        o_blk = (t.reshape(B, 1) == m_cols)
        of = o_blk.astype(jnp.float32)
        cx = lax.dot_general(ffx, of, (((1,), (0,)), ((), ())),
                             preferred_element_type=jnp.float32)

        outs = []
        for c in (0, 1):
            cb_c = cross_b[c * B:(c + 1) * B, :]
            sx1_c = two_inv_b * jnp.sum(of * cb_c, axis=0)
            s_c = s_b[c, :] + cx[2 * B + c, :] + sx1_c
            outs.append(a[c, :][:, None]
                        - 2.0 * (cb_c + cx[c * B:(c + 1) * B, :])
                        + s_c[None, :])
        outs0.append(outs[0])
        outs1.append(outs[1])

    out0_ref[...] = jnp.concatenate(outs0, axis=1)
    out1_ref[...] = jnp.concatenate(outs1, axis=1)


def kernel(features, targets, bank, W, b):
    B, D = features.shape
    M, _ = bank.shape
    C = W.shape[1]
    block_m = 256
    nsteps = M // (2 * block_m)
    grid = (nsteps,)

    t2d = targets.reshape(1, B).astype(jnp.int32)
    wt = W.T
    b2d = b.reshape(1, C)

    tgt = _make_sc_onehot(B, M)(targets.astype(jnp.int32))

    out0, out1 = pl.pallas_call(
        functools.partial(_verif_block, block_m=block_m),
        grid=grid,
        in_specs=[
            pl.BlockSpec((B, D), lambda j: (0, 0)),
            pl.BlockSpec((1, B), lambda j: (0, 0)),
            pl.BlockSpec((block_m, D), lambda j: (2 * j, 0)),
            pl.BlockSpec((block_m, D), lambda j: (2 * j + 1, 0)),
            pl.BlockSpec((C, D), lambda j: (0, 0)),
            pl.BlockSpec((1, C), lambda j: (0, 0)),
        ],
        out_specs=[
            pl.BlockSpec((B, 2 * block_m), lambda j: (0, j)),
            pl.BlockSpec((B, 2 * block_m), lambda j: (0, j)),
        ],
        out_shape=[
            jax.ShapeDtypeStruct((B, M), jnp.float32),
            jax.ShapeDtypeStruct((B, M), jnp.float32),
        ],
        scratch_shapes=[
            pltpu.VMEM((2 * B, D), jnp.float32),
            pltpu.VMEM((2 * B + 8, B), jnp.float32),
            pltpu.VMEM((8, B), jnp.float32),
        ],
        compiler_params=pltpu.CompilerParams(
            dimension_semantics=("arbitrary",)),
    )(features, t2d, bank, bank, wt, b2d)

    bank_outputs = jnp.stack([out0, out1], axis=-1).reshape(B * M, C)
    bank_targets = tgt.reshape(-1)
    return bank_outputs, bank_targets

# --- scband reference (transcript-rebuilt; emitter-appended) ---
"""Pipeline reference for scband-baseline-verif-mem-bank-67671504716275 (READ-ONLY COPY).

The authoritative reference and input builder live on the scoring server;
editing this copy changes nothing except your own understanding.
"""

import jax, jax.numpy as jnp
import numpy as np


def setup_inputs(seed: int = 0) -> dict:
    key = jax.random.key(seed)
    k1, k2, k3, k4 = jax.random.split(key, 4)
    B, M, D, C = 32, 1024, 2560, 2
    features = jax.random.normal(k1, (B, D), dtype=jnp.float32)
    targets = jax.random.randint(k2, (B,), 0, M)
    bank = jax.random.normal(k3, (M, D), dtype=jnp.float32) * 0.1
    W = jax.random.normal(k4, (D, C), dtype=jnp.float32) * 0.02
    b = jnp.zeros((C,), dtype=jnp.float32)
    return {"features": features, "targets": targets, "bank": bank, "W": W, "b": b}


def reference(features, targets, bank, W, b):
    # Scatter-accumulate detached features into the identity memory bank:
    #   bank[label] = bank[label] + feat / length   (feat.detach() in torch)
    B = features.shape[0]
    M, D = bank.shape
    bank_updated = bank.at[targets].add(jax.lax.stop_gradient(features) / B)
    # Verification features: elementwise squared difference between every
    # batch feature and every bank row (torch.pow(feat - bank[i], 2)).
    diffs = (features[:, None, :] - bank_updated[None, :, :]) ** 2  # [B, M, D]
    bank_features = diffs.reshape(B * M, D)
    # bank_targets: 1 where bank row index == label else 0
    bank_targets = (targets[:, None] == jnp.arange(M)[None, :]).astype(jnp.int32).reshape(-1)
    # verif_model head -> 2-way logits
    bank_outputs = bank_features @ W + b  # [B*M, 2]
    return bank_outputs, bank_targets

if __name__ == "__main__":
    import jax
    _d = setup_inputs()
    print(jax.jit(kernel)(*tuple(_d.values())))

</pallas_src>

<mosaic_0001>
#map = affine_map<(d0, d1) -> (0)>
#map1 = affine_map<(d0, d1) -> (0, 0)>
module attributes {stable_mosaic.version = 14 : i64} {
  func.func @_sc_onehot(%arg0: i32, %arg1: i32, %arg2: memref<32xi32, #tpu.memory_space<hbm>>, %arg3: memref<32x1024xi32, #tpu.memory_space<hbm>>, %arg4: memref<32xi32, #tpu.memory_space<vmem>>, %arg5: memref<1024xi32, #tpu.memory_space<vmem>>) attributes {dimension_semantics = [#tpu.dimension_semantics<core_parallel>, #tpu.dimension_semantics<subcore_parallel>], iteration_bounds = array<i64: 2, 16>, scalar_prefetch = 0 : i64, scratch_operands = 2 : i64, tpu.core_type = #tpu.core_type<sc_vector_subcore>, window_params = [{transform_indices = #map}, {transform_indices = #map1}]} {
    %mul3A = arith.constant 2 : i32
    %mul3A_0 = arith.muli %arg1, %mul3A : i32
    %add3A = arith.addi %mul3A_0, %arg0 : i32
    "tpu.region"() ({
      %run_scoped3A = tpu.sem_alloc : memref<!tpu.dma_semaphore, #tpu.memory_space<semaphore_mem>>
      tpu.enqueue_dma source(%arg2 : memref<32xi32, #tpu.memory_space<hbm>>) target(%arg4 : memref<32xi32, #tpu.memory_space<vmem>>) target_semaphore(%run_scoped3A : memref<!tpu.dma_semaphore, #tpu.memory_space<semaphore_mem>>)
      tpu.wait_dma2 semaphore(%run_scoped3A : memref<!tpu.dma_semaphore, #tpu.memory_space<semaphore_mem>>) src(%arg2 : memref<32xi32, #tpu.memory_space<hbm>>) dst(%arg4 : memref<32xi32, #tpu.memory_space<vmem>>)
      tpu.yield
    }) : () -> ()
    %iota3A = tpu.iota {dimensions = array<i32: 0>} : vector<16xi32>
    %get3A = arith.constant 0 : index
    %get3A_1 = tpu.vector_load %arg4[%get3A] {strides = array<i32>} : memref<32xi32, #tpu.memory_space<vmem>>, vector<16xi32>,
    %get3A_2 = vector.shape_cast %get3A_1 : vector<16xi32> to vector<16xi32>
    %get3A_3 = arith.constant 16 : index
    %get3A_4 = tpu.vector_load %arg4[%get3A_3] {strides = array<i32>} : memref<32xi32, #tpu.memory_space<vmem>>, vector<16xi32>,
    %get3A_5 = vector.shape_cast %get3A_4 : vector<16xi32> to vector<16xi32>
    %jit3A = arith.constant 16 : i32
    %div3A = arith.divsi %add3A, %jit3A : i32
    %sign3A = arith.constant 0 : i32
    %sign3A_6 = arith.cmpi sgt, %add3A, %sign3A : i32
    %sign3A_7 = arith.extui %sign3A_6 : i1 to i32
    %sign3A_8 = arith.constant 0 : i32
    %sign3A_9 = arith.cmpi slt, %add3A, %sign3A_8 : i32
    %sign3A_10 = arith.extui %sign3A_9 : i1 to i32
    %sign3A_11 = arith.subi %sign3A_7, %sign3A_10 : i32
    %sign3A_12 = arith.constant 0 : i32
    %sign3A_13 = arith.cmpi sgt, %jit3A, %sign3A_12 : i32
    %sign3A_14 = arith.extui %sign3A_13 : i1 to i32
    %sign3A_15 = arith.constant 0 : i32
    %sign3A_16 = arith.cmpi slt, %jit3A, %sign3A_15 : i32
    %sign3A_17 = arith.extui %sign3A_16 : i1 to i32
    %sign3A_18 = arith.subi %sign3A_14, %sign3A_17 : i32
    %ne3A = arith.cmpi ne, %sign3A_11, %sign3A_18 : i32
    %rem3A = arith.remsi %add3A, %jit3A : i32
    %ne3A_19 = arith.constant 0 : i32
    %ne3A_20 = arith.cmpi ne, %rem3A, %ne3A_19 : i32
    %and3A = arith.andi %ne3A, %ne3A_20 : i1
    %sub3A = arith.constant 1 : i32
    %sub3A_21 = arith.subi %div3A, %sub3A : i32
    %select_n3A = arith.select %and3A, %sub3A_21, %div3A : i32
    %eq3A = arith.constant 1 : i32
    %eq3A_22 = arith.cmpi eq, %select_n3A, %eq3A : i32
    %select_n3A_23 = arith.select %eq3A_22, %get3A_5, %get3A_2 : vector<16xi32>
    %mul3A_24 = arith.constant 0 : i32
    %mul3A_25 = vector.broadcast %mul3A_24 : i32 to vector<16xi32>
    %mul3A_26 = arith.muli %iota3A, %mul3A_25 : vector<16xi32>
    %jit3A_27 = arith.constant 16 : i32
    %eq3A_28 = arith.constant 0 : i32
    %eq3A_29 = arith.cmpi eq, %jit3A_27, %eq3A_28 : i32
    %jit3A_30 = arith.constant 1 : i32
    %select_n3A_31 = arith.select %eq3A_29, %jit3A_30, %jit3A_27 : i32
    %rem3A_32 = arith.remsi %add3A, %select_n3A_31 : i32
    %ne3A_33 = arith.constant 0 : i32
    %ne3A_34 = arith.cmpi ne, %rem3A_32, %ne3A_33 : i32
    %lt3A = arith.constant 0 : i32
    %lt3A_35 = arith.cmpi slt, %rem3A_32, %lt3A : i32
    %lt3A_36 = arith.constant 0 : i32
    %lt3A_37 = arith.cmpi slt, %select_n3A_31, %lt3A_36 : i32
    %ne3A_38 = arith.xori %lt3A_35, %lt3A_37 : i1
    %and3A_39 = arith.andi %ne3A_38, %ne3A_34 : i1
    %add3A_40 = arith.addi %rem3A_32, %select_n3A_31 : i32
    %select_n3A_41 = arith.select %and3A_39, %add3A_40, %rem3A_32 : i32
    %add3A_42 = vector.broadcast %select_n3A_41 : i32 to vector<16xi32>
    %add3A_43 = arith.addi %mul3A_26, %add3A_42 : vector<16xi32>
    %broadcast_in_dim3A = vector.shape_cast %add3A_43 : vector<16xi32> to vector<16x1xi32>
    %gather3A = vector.shape_cast %broadcast_in_dim3A : vector<16x1xi32> to vector<16xi32>
    %gather3A_44 = tpu.dynamic_gather %select_n3A_23[%gather3A] in [0] : vector<16xi32>, vector<16xi32> -> vector<16xi32>
    %add3A_45 = arith.constant 0 : i32
    %add3A_46 = vector.broadcast %add3A_45 : i32 to vector<16xi32>
    %add3A_47 = arith.addi %add3A_46, %iota3A : vector<16xi32>
    %eq3A_48 = arith.cmpi eq, %add3A_47, %gather3A_44 : vector<16xi32>
    %jit3A_49 = arith.constant 1 : i32
    %jit3A_50 = arith.constant 0 : i32
    %broadcast_in_dim3A_51 = vector.broadcast %jit3A_49 : i32 to vector<16xi32>
    %broadcast_in_dim3A_52 = vector.broadcast %jit3A_50 : i32 to vector<16xi32>
    %select_n3A_53 = arith.select %eq3A_48, %broadcast_in_dim3A_51, %broadcast_in_dim3A_52 : vector<16xi1>, vector<16xi32>
    %swap3A = arith.constant 0 : index
    %swap3A_54 = tpu.vector_load %arg5[%swap3A] {strides = array<i32>} : memref<1024xi32, #tpu.memory_space<vmem>>, vector<16xi32>,
    %swap3A_55 = vector.shape_cast %swap3A_54 : vector<16xi32> to vector<16xi32>
    %swap3A_56 = vector.shape_cast %select_n3A_53 : vector<16xi32> to vector<16xi32>
    tpu.vector_store %arg5[%swap3A], %swap3A_56 {strides = array<i32>} : memref<1024xi32, #tpu.memory_space<vmem>>, vector<16xi32>,
    %add3A_57 = arith.constant 16 : i32
    %add3A_58 = vector.broadcast %add3A_57 : i32 to vector<16xi32>
    %add3A_59 = arith.addi %add3A_58, %iota3A : vector<16xi32>
    %eq3A_60 = arith.cmpi eq, %add3A_59, %gather3A_44 : vector<16xi32>
    %jit3A_61 = arith.constant 1 : i32
    %jit3A_62 = arith.constant 0 : i32
    %broadcast_in_dim3A_63 = vector.broadcast %jit3A_61 : i32 to vector<16xi32>
    %broadcast_in_dim3A_64 = vector.broadcast %jit3A_62 : i32 to vector<16xi32>
    %select_n3A_65 = arith.select %eq3A_60, %broadcast_in_dim3A_63, %broadcast_in_dim3A_64 : vector<16xi1>, vector<16xi32>
    %swap3A_66 = arith.constant 16 : index
    %swap3A_67 = tpu.vector_load %arg5[%swap3A_66] {strides = array<i32>} : memref<1024xi32, #tpu.memory_space<vmem>>, vector<16xi32>,
    %swap3A_68 = vector.shape_cast %swap3A_67 : vector<16xi32> to vector<16xi32>
    %swap3A_69 = vector.shape_cast %select_n3A_65 : vector<16xi32> to vector<16xi32>
    tpu.vector_store %arg5[%swap3A_66], %swap3A_69 {strides = array<i32>} : memref<1024xi32, #tpu.memory_space<vmem>>, vector<16xi32>,
    %add3A_70 = arith.constant 32 : i32
    %add3A_71 = vector.broadcast %add3A_70 : i32 to vector<16xi32>
    %add3A_72 = arith.addi %add3A_71, %iota3A : vector<16xi32>
    %eq3A_73 = arith.cmpi eq, %add3A_72, %gather3A_44 : vector<16xi32>
    %jit3A_74 = arith.constant 1 : i32
    %jit3A_75 = arith.constant 0 : i32
    %broadcast_in_dim3A_76 = vector.broadcast %jit3A_74 : i32 to vector<16xi32>
    %broadcast_in_dim3A_77 = vector.broadcast %jit3A_75 : i32 to vector<16xi32>
    %select_n3A_78 = arith.select %eq3A_73, %broadcast_in_dim3A_76, %broadcast_in_dim3A_77 : vector<16xi1>, vector<16xi32>
    %swap3A_79 = arith.constant 32 : index
    %swap3A_80 = tpu.vector_load %arg5[%swap3A_79] {strides = array<i32>} : memref<1024xi32, #tpu.memory_space<vmem>>, vector<16xi32>,
    %swap3A_81 = vector.shape_cast %swap3A_80 : vector<16xi32> to vector<16xi32>
    %swap3A_82 = vector.shape_cast %select_n3A_78 : vector<16xi32> to vector<16xi32>
    tpu.vector_store %arg5[%swap3A_79], %swap3A_82 {strides = array<i32>} : memref<1024xi32, #tpu.memory_space<vmem>>, vector<16xi32>,
    %add3A_83 = arith.constant 48 : i32
    %add3A_84 = vector.broadcast %add3A_83 : i32 to vector<16xi32>
    %add3A_85 = arith.addi %add3A_84, %iota3A : vector<16xi32>
    %eq3A_86 = arith.cmpi eq, %add3A_85, %gather3A_44 : vector<16xi32>
    %jit3A_87 = arith.constant 1 : i32
    %jit3A_88 = arith.constant 0 : i32
    %broadcast_in_dim3A_89 = vector.broadcast %jit3A_87 : i32 to vector<16xi32>
    %broadcast_in_dim3A_90 = vector.broadcast %jit3A_88 : i32 to vector<16xi32>
    %select_n3A_91 = arith.select %eq3A_86, %broadcast_in_dim3A_89, %broadcast_in_dim3A_90 : vector<16xi1>, vector<16xi32>
    %swap3A_92 = arith.constant 48 : index
    %swap3A_93 = tpu.vector_load %arg5[%swap3A_92] {strides = array<i32>} : memref<1024xi32, #tpu.memory_space<vmem>>, vector<16xi32>,
    %swap3A_94 = vector.shape_cast %swap3A_93 : vector<16xi32> to vector<16xi32>
    %swap3A_95 = vector.shape_cast %select_n3A_91 : vector<16xi32> to vector<16xi32>
    tpu.vector_store %arg5[%swap3A_92], %swap3A_95 {strides = array<i32>} : memref<1024xi32, #tpu.memory_space<vmem>>, vector<16xi32>,
    %add3A_96 = arith.constant 64 : i32
    %add3A_97 = vector.broadcast %add3A_96 : i32 to vector<16xi32>
    %add3A_98 = arith.addi %add3A_97, %iota3A : vector<16xi32>
    %eq3A_99 = arith.cmpi eq, %add3A_98, %gather3A_44 : vector<16xi32>
    %jit3A_100 = arith.constant 1 : i32
    %jit3A_101 = arith.constant 0 : i32
    %broadcast_in_dim3A_102 = vector.broadcast %jit3A_100 : i32 to vector<16xi32>
    %broadcast_in_dim3A_103 = vector.broadcast %jit3A_101 : i32 to vector<16xi32>
    %select_n3A_104 = arith.select %eq3A_99, %broadcast_in_dim3A_102, %broadcast_in_dim3A_103 : vector<16xi1>, vector<16xi32>
    %swap3A_105 = arith.constant 64 : index
    %swap3A_106 = tpu.vector_load %arg5[%swap3A_105] {strides = array<i32>} : memref<1024xi32, #tpu.memory_space<vmem>>, vector<16xi32>,
    %swap3A_107 = vector.shape_cast %swap3A_106 : vector<16xi32> to vector<16xi32>
    %swap3A_108 = vector.shape_cast %select_n3A_104 : vector<16xi32> to vector<16xi32>
    tpu.vector_store %arg5[%swap3A_105], %swap3A_108 {strides = array<i32>} : memref<1024xi32, #tpu.memory_space<vmem>>, vector<16xi32>,
    %add3A_109 = arith.constant 80 : i32
    %add3A_110 = vector.broadcast %add3A_109 : i32 to vector<16xi32>
    %add3A_111 = arith.addi %add3A_110, %iota3A : vector<16xi32>
    %eq3A_112 = arith.cmpi eq, %add3A_111, %gather3A_44 : vector<16xi32>
    %jit3A_113 = arith.constant 1 : i32
    %jit3A_114 = arith.constant 0 : i32
    %broadcast_in_dim3A_115 = vector.broadcast %jit3A_113 : i32 to vector<16xi32>
    %broadcast_in_dim3A_116 = vector.broadcast %jit3A_114 : i32 to vector<16xi32>
    %select_n3A_117 = arith.select %eq3A_112, %broadcast_in_dim3A_115, %broadcast_in_dim3A_116 : vector<16xi1>, vector<16xi32>
    %swap3A_118 = arith.constant 80 : index
    %swap3A_119 = tpu.vector_load %arg5[%swap3A_118] {strides = array<i32>} : memref<1024xi32, #tpu.memory_space<vmem>>, vector<16xi32>,
    %swap3A_120 = vector.shape_cast %swap3A_119 : vector<16xi32> to vector<16xi32>
    %swap3A_121 = vector.shape_cast %select_n3A_117 : vector<16xi32> to vector<16xi32>
    tpu.vector_store %arg5[%swap3A_118], %swap3A_121 {strides = array<i32>} : memref<1024xi32, #tpu.memory_space<vmem>>, vector<16xi32>,
    %add3A_122 = arith.constant 96 : i32
    %add3A_123 = vector.broadcast %add3A_122 : i32 to vector<16xi32>
    %add3A_124 = arith.addi %add3A_123, %iota3A : vector<16xi32>
    %eq3A_125 = arith.cmpi eq, %add3A_124, %gather3A_44 : vector<16xi32>
    %jit3A_126 = arith.constant 1 : i32
    %jit3A_127 = arith.constant 0 : i32
    %broadcast_in_dim3A_128 = vector.broadcast %jit3A_126 : i32 to vector<16xi32>
    %broadcast_in_dim3A_129 = vector.broadcast %jit3A_127 : i32 to vector<16xi32>
    %select_n3A_130 = arith.select %eq3A_125, %broadcast_in_dim3A_128, %broadcast_in_dim3A_129 : vector<16xi1>, vector<16xi32>
    %swap3A_131 = arith.constant 96 : index
    %swap3A_132 = tpu.vector_load %arg5[%swap3A_131] {strides = array<i32>} : memref<1024xi32, #tpu.memory_space<vmem>>, vector<16xi32>,
    %swap3A_133 = vector.shape_cast %swap3A_132 : vector<16xi32> to vector<16xi32>
    %swap3A_134 = vector.shape_cast %select_n3A_130 : vector<16xi32> to vector<16xi32>
    tpu.vector_store %arg5[%swap3A_131], %swap3A_134 {strides = array<i32>} : memref<1024xi32, #tpu.memory_space<vmem>>, vector<16xi32>,
    %add3A_135 = arith.constant 112 : i32
    %add3A_136 = vector.broadcast %add3A_135 : i32 to vector<16xi32>
    %add3A_137 = arith.addi %add3A_136, %iota3A : vector<16xi32>
    %eq3A_138 = arith.cmpi eq, %add3A_137, %gather3A_44 : vector<16xi32>
    %jit3A_139 = arith.constant 1 : i32
    %jit3A_140 = arith.constant 0 : i32
    %broadcast_in_dim3A_141 = vector.broadcast %jit3A_139 : i32 to vector<16xi32>
    %broadcast_in_dim3A_142 = vector.broadcast %jit3A_140 : i32 to vector<16xi32>
    %select_n3A_143 = arith.select %eq3A_138, %broadcast_in_dim3A_141, %broadcast_in_dim3A_142 : vector<16xi1>, vector<16xi32>
    %swap3A_144 = arith.constant 112 : index
    %swap3A_145 = tpu.vector_load %arg5[%swap3A_144] {strides = array<i32>} : memref<1024xi32, #tpu.memory_space<vmem>>, vector<16xi32>,
    %swap3A_146 = vector.shape_cast %swap3A_145 : vector<16xi32> to vector<16xi32>
    %swap3A_147 = vector.shape_cast %select_n3A_143 : vector<16xi32> to vector<16xi32>
    tpu.vector_store %arg5[%swap3A_144], %swap3A_147 {strides = array<i32>} : memref<1024xi32, #tpu.memory_space<vmem>>, vector<16xi32>,
    %add3A_148 = arith.constant 128 : i32
    %add3A_149 = vector.broadcast %add3A_148 : i32 to vector<16xi32>
    %add3A_150 = arith.addi %add3A_149, %iota3A : vector<16xi32>
    %eq3A_151 = arith.cmpi eq, %add3A_150, %gather3A_44 : vector<16xi32>
    %jit3A_152 = arith.constant 1 : i32
    %jit3A_153 = arith.constant 0 : i32
    %broadcast_in_dim3A_154 = vector.broadcast %jit3A_152 : i32 to vector<16xi32>
    %broadcast_in_dim3A_155 = vector.broadcast %jit3A_153 : i32 to vector<16xi32>
    %select_n3A_156 = arith.select %eq3A_151, %broadcast_in_dim3A_154, %broadcast_in_dim3A_155 : vector<16xi1>, vector<16xi32>
    %swap3A_157 = arith.constant 128 : index
    %swap3A_158 = tpu.vector_load %arg5[%swap3A_157] {strides = array<i32>} : memref<1024xi32, #tpu.memory_space<vmem>>, vector<16xi32>,
    %swap3A_159 = vector.shape_cast %swap3A_158 : vector<16xi32> to vector<16xi32>
    %swap3A_160 = vector.shape_cast %select_n3A_156 : vector<16xi32> to vector<16xi32>
    tpu.vector_store %arg5[%swap3A_157], %swap3A_160 {strides = array<i32>} : memref<1024xi32, #tpu.memory_space<vmem>>, vector<16xi32>,
    %add3A_161 = arith.constant 144 : i32
    %add3A_162 = vector.broadcast %add3A_161 : i32 to vector<16xi32>
    %add3A_163 = arith.addi %add3A_162, %iota3A : vector<16xi32>
    %eq3A_164 = arith.cmpi eq, %add3A_163, %gather3A_44 : vector<16xi32>
    %jit3A_165 = arith.constant 1 : i32
    %jit3A_166 = arith.constant 0 : i32
    %broadcast_in_dim3A_167 = vector.broadcast %jit3A_165 : i32 to vector<16xi32>
    %broadcast_in_dim3A_168 = vector.broadcast %jit3A_166 : i32 to vector<16xi32>
    %select_n3A_169 = arith.select %eq3A_164, %broadcast_in_dim3A_167, %broadcast_in_dim3A_168 : vector<16xi1>, vector<16xi32>
    %swap3A_170 = arith.constant 144 : index
    %swap3A_171 = tpu.vector_load %arg5[%swap3A_170] {strides = array<i32>} : memref<1024xi32, #tpu.memory_space<vmem>>, vector<16xi32>,
    %swap3A_172 = vector.shape_cast %swap3A_171 : vector<16xi32> to vector<16xi32>
    %swap3A_173 = vector.shape_cast %select_n3A_169 : vector<16xi32> to vector<16xi32>
    tpu.vector_store %arg5[%swap3A_170], %swap3A_173 {strides = array<i32>} : memref<1024xi32, #tpu.memory_space<vmem>>, vector<16xi32>,
    %add3A_174 = arith.constant 160 : i32
    %add3A_175 = vector.broadcast %add3A_174 : i32 to vector<16xi32>
    %add3A_176 = arith.addi %add3A_175, %iota3A : vector<16xi32>
    %eq3A_177 = arith.cmpi eq, %add3A_176, %gather3A_44 : vector<16xi32>
    %jit3A_178 = arith.constant 1 : i32
    %jit3A_179 = arith.constant 0 : i32
    %broadcast_in_dim3A_180 = vector.broadcast %jit3A_178 : i32 to vector<16xi32>
    %broadcast_in_dim3A_181 = vector.broadcast %jit3A_179 : i32 to vector<16xi32>
    %select_n3A_182 = arith.select %eq3A_177, %broadcast_in_dim3A_180, %broadcast_in_dim3A_181 : vector<16xi1>, vector<16xi32>
    %swap3A_183 = arith.constant 160 : index
    %swap3A_184 = tpu.vector_load %arg5[%swap3A_183] {strides = array<i32>} : memref<1024xi32, #tpu.memory_space<vmem>>, vector<16xi32>,
    %swap3A_185 = vector.shape_cast %swap3A_184 : vector<16xi32> to vector<16xi32>
    %swap3A_186 = vector.shape_cast %select_n3A_182 : vector<16xi32> to vector<16xi32>
    tpu.vector_store %arg5[%swap3A_183], %swap3A_186 {strides = array<i32>} : memref<1024xi32, #tpu.memory_space<vmem>>, vector<16xi32>,
    %add3A_187 = arith.constant 176 : i32
    %add3A_188 = vector.broadcast %add3A_187 : i32 to vector<16xi32>
    %add3A_189 = arith.addi %add3A_188, %iota3A : vector<16xi32>
    %eq3A_190 = arith.cmpi eq, %add3A_189, %gather3A_44 : vector<16xi32>
    %jit3A_191 = arith.constant 1 : i32
    %jit3A_192 = arith.constant 0 : i32
    %broadcast_in_dim3A_193 = vector.broadcast %jit3A_191 : i32 to vector<16xi32>
    %broadcast_in_dim3A_194 = vector.broadcast %jit3A_192 : i32 to vector<16xi32>
    %select_n3A_195 = arith.select %eq3A_190, %broadcast_in_dim3A_193, %broadcast_in_dim3A_194 : vector<16xi1>, vector<16xi32>
    %swap3A_196 = arith.constant 176 : index
    %swap3A_197 = tpu.vector_load %arg5[%swap3A_196] {strides = array<i32>} : memref<1024xi32, #tpu.memory_space<vmem>>, vector<16xi32>,
    %swap3A_198 = vector.shape_cast %swap3A_197 : vector<16xi32> to vector<16xi32>
    %swap3A_199 = vector.shape_cast %select_n3A_195 : vector<16xi32> to vector<16xi32>
    tpu.vector_store %arg5[%swap3A_196], %swap3A_199 {strides = array<i32>} : memref<1024xi32, #tpu.memory_space<vmem>>, vector<16xi32>,
    %add3A_200 = arith.constant 192 : i32
    %add3A_201 = vector.broadcast %add3A_200 : i32 to vector<16xi32>
    %add3A_202 = arith.addi %add3A_201, %iota3A : vector<16xi32>
    %eq3A_203 = arith.cmpi eq, %add3A_202, %gather3A_44 : vector<16xi32>
    %jit3A_204 = arith.constant 1 : i32
    %jit3A_205 = arith.constant 0 : i32
    %broadcast_in_dim3A_206 = vector.broadcast %jit3A_204 : i32 to vector<16xi32>
    %broadcast_in_dim3A_207 = vector.broadcast %jit3A_205 : i32 to vector<16xi32>
    %select_n3A_208 = arith.select %eq3A_203, %broadcast_in_dim3A_206, %broadcast_in_dim3A_207 : vector<16xi1>, vector<16xi32>
    %swap3A_209 = arith.constant 192 : index
    %swap3A_210 = tpu.vector_load %arg5[%swap3A_209] {strides = array<i32>} : memref<1024xi32, #tpu.memory_space<vmem>>, vector<16xi32>,
    %swap3A_211 = vector.shape_cast %swap3A_210 : vector<16xi32> to vector<16xi32>
    %swap3A_212 = vector.shape_cast %select_n3A_208 : vector<16xi32> to vector<16xi32>
    tpu.vector_store %arg5[%swap3A_209], %swap3A_212 {strides = array<i32>} : memref<1024xi32, #tpu.memory_space<vmem>>, vector<16xi32>,
    %add3A_213 = arith.constant 208 : i32
    %add3A_214 = vector.broadcast %add3A_213 : i32 to vector<16xi32>
    %add3A_215 = arith.addi %add3A_214, %iota3A : vector<16xi32>
    %eq3A_216 = arith.cmpi eq, %add3A_215, %gather3A_44 : vector<16xi32>
    %jit3A_217 = arith.constant 1 : i32
    %jit3A_218 = arith.constant 0 : i32
    %broadcast_in_dim3A_219 = vector.broadcast %jit3A_217 : i32 to vector<16xi32>
    %broadcast_in_dim3A_220 = vector.broadcast %jit3A_218 : i32 to vector<16xi32>
    %select_n3A_221 = arith.select %eq3A_216, %broadcast_in_dim3A_219, %broadcast_in_dim3A_220 : vector<16xi1>, vector<16xi32>
    %swap3A_222 = arith.constant 208 : index
    %swap3A_223 = tpu.vector_load %arg5[%swap3A_222] {strides = array<i32>} : memref<1024xi32, #tpu.memory_space<vmem>>, vector<16xi32>,
    %swap3A_224 = vector.shape_cast %swap3A_223 : vector<16xi32> to vector<16xi32>
    %swap3A_225 = vector.shape_cast %select_n3A_221 : vector<16xi32> to vector<16xi32>
    tpu.vector_store %arg5[%swap3A_222], %swap3A_225 {strides = array<i32>} : memref<1024xi32, #tpu.memory_space<vmem>>, vector<16xi32>,
    %add3A_226 = arith.constant 224 : i32
    %add3A_227 = vector.broadcast %add3A_226 : i32 to vector<16xi32>
    %add3A_228 = arith.addi %add3A_227, %iota3A : vector<16xi32>
    %eq3A_229 = arith.cmpi eq, %add3A_228, %gather3A_44 : vector<16xi32>
    %jit3A_230 = arith.constant 1 : i32
    %jit3A_231 = arith.constant 0 : i32
    %broadcast_in_dim3A_232 = vector.broadcast %jit3A_230 : i32 to vector<16xi32>
    %broadcast_in_dim3A_233 = vector.broadcast %jit3A_231 : i32 to vector<16xi32>
    %select_n3A_234 = arith.select %eq3A_229, %broadcast_in_dim3A_232, %broadcast_in_dim3A_233 : vector<16xi1>, vector<16xi32>
    %swap3A_235 = arith.constant 224 : index
    %swap3A_236 = tpu.vector_load %arg5[%swap3A_235] {strides = array<i32>} : memref<1024xi32, #tpu.memory_space<vmem>>, vector<16xi32>,
    %swap3A_237 = vector.shape_cast %swap3A_236 : vector<16xi32> to vector<16xi32>
    %swap3A_238 = vector.shape_cast %select_n3A_234 : vector<16xi32> to vector<16xi32>
    tpu.vector_store %arg5[%swap3A_235], %swap3A_238 {strides = array<i32>} : memref<1024xi32, #tpu.memory_space<vmem>>, vector<16xi32>,
    %add3A_239 = arith.constant 240 : i32
    %add3A_240 = vector.broadcast %add3A_239 : i32 to vector<16xi32>
    %add3A_241 = arith.addi %add3A_240, %iota3A : vector<16xi32>
    %eq3A_242 = arith.cmpi eq, %add3A_241, %gather3A_44 : vector<16xi32>
    %jit3A_243 = arith.constant 1 : i32
    %jit3A_244 = arith.constant 0 : i32
    %broadcast_in_dim3A_245 = vector.broadcast %jit3A_243 : i32 to vector<16xi32>
    %broadcast_in_dim3A_246 = vector.broadcast %jit3A_244 : i32 to vector<16xi32>
    %select_n3A_247 = arith.select %eq3A_242, %broadcast_in_dim3A_245, %broadcast_in_dim3A_246 : vector<16xi1>, vector<16xi32>
    %swap3A_248 = arith.constant 240 : index
    %swap3A_249 = tpu.vector_load %arg5[%swap3A_248] {strides = array<i32>} : memref<1024xi32, #tpu.memory_space<vmem>>, vector<16xi32>,
    %swap3A_250 = vector.shape_cast %swap3A_249 : vector<16xi32> to vector<16xi32>
    %swap3A_251 = vector.shape_cast %select_n3A_247 : vector<16xi32> to vector<16xi32>
    tpu.vector_store %arg5[%swap3A_248], %swap3A_251 {strides = array<i32>} : memref<1024xi32, #tpu.memory_space<vmem>>, vector<16xi32>,
    %add3A_252 = arith.constant 256 : i32
    %add3A_253 = vector.broadcast %add3A_252 : i32 to vector<16xi32>
    %add3A_254 = arith.addi %add3A_253, %iota3A : vector<16xi32>
    %eq3A_255 = arith.cmpi eq, %add3A_254, %gather3A_44 : vector<16xi32>
    %jit3A_256 = arith.constant 1 : i32
    %jit3A_257 = arith.constant 0 : i32
    %broadcast_in_dim3A_258 = vector.broadcast %jit3A_256 : i32 to vector<16xi32>
    %broadcast_in_dim3A_259 = vector.broadcast %jit3A_257 : i32 to vector<16xi32>
    %select_n3A_260 = arith.select %eq3A_255, %broadcast_in_dim3A_258, %broadcast_in_dim3A_259 : vector<16xi1>, vector<16xi32>
    %swap3A_261 = arith.constant 256 : index
    %swap3A_262 = tpu.vector_load %arg5[%swap3A_261] {strides = array<i32>} : memref<1024xi32, #tpu.memory_space<vmem>>, vector<16xi32>,
    %swap3A_263 = vector.shape_cast %swap3A_262 : vector<16xi32> to vector<16xi32>
    %swap3A_264 = vector.shape_cast %select_n3A_260 : vector<16xi32> to vector<16xi32>
    tpu.vector_store %arg5[%swap3A_261], %swap3A_264 {strides = array<i32>} : memref<1024xi32, #tpu.memory_space<vmem>>, vector<16xi32>,
    %add3A_265 = arith.constant 272 : i32
    %add3A_266 = vector.broadcast %add3A_265 : i32 to vector<16xi32>
    %add3A_267 = arith.addi %add3A_266, %iota3A : vector<16xi32>
    %eq3A_268 = arith.cmpi eq, %add3A_267, %gather3A_44 : vector<16xi32>
    %jit3A_269 = arith.constant 1 : i32
    %jit3A_270 = arith.constant 0 : i32
    %broadcast_in_dim3A_271 = vector.broadcast %jit3A_269 : i32 to vector<16xi32>
    %broadcast_in_dim3A_272 = vector.broadcast %jit3A_270 : i32 to vector<16xi32>
    %select_n3A_273 = arith.select %eq3A_268, %broadcast_in_dim3A_271, %broadcast_in_dim3A_272 : vector<16xi1>, vector<16xi32>
    %swap3A_274 = arith.constant 272 : index
    %swap3A_275 = tpu.vector_load %arg5[%swap3A_274] {strides = array<i32>} : memref<1024xi32, #tpu.memory_space<vmem>>, vector<16xi32>,
    %swap3A_276 = vector.shape_cast %swap3A_275 : vector<16xi32> to vector<16xi32>
    %swap3A_277 = vector.shape_cast %select_n3A_273 : vector<16xi32> to vector<16xi32>
    tpu.vector_store %arg5[%swap3A_274], %swap3A_277 {strides = array<i32>} : memref<1024xi32, #tpu.memory_space<vmem>>, vector<16xi32>,
    %add3A_278 = arith.constant 288 : i32
    %add3A_279 = vector.broadcast %add3A_278 : i32 to vector<16xi32>
    %add3A_280 = arith.addi %add3A_279, %iota3A : vector<16xi32>
    %eq3A_281 = arith.cmpi eq, %add3A_280, %gather3A_44 : vector<16xi32>
    %jit3A_282 = arith.constant 1 : i32
    %jit3A_283 = arith.constant 0 : i32
    %broadcast_in_dim3A_284 = vector.broadcast %jit3A_282 : i32 to vector<16xi32>
    %broadcast_in_dim3A_285 = vector.broadcast %jit3A_283 : i32 to vector<16xi32>
    %select_n3A_286 = arith.select %eq3A_281, %broadcast_in_dim3A_284, %broadcast_in_dim3A_285 : vector<16xi1>, vector<16xi32>
    %swap3A_287 = arith.constant 288 : index
    %swap3A_288 = tpu.vector_load %arg5[%swap3A_287] {strides = array<i32>} : memref<1024xi32, #tpu.memory_space<vmem>>, vector<16xi32>,
    %swap3A_289 = vector.shape_cast %swap3A_288 : vector<16xi32> to vector<16xi32>
    %swap3A_290 = vector.shape_cast %select_n3A_286 : vector<16xi32> to vector<16xi32>
    tpu.vector_store %arg5[%swap3A_287], %swap3A_290 {strides = array<i32>} : memref<1024xi32, #tpu.memory_space<vmem>>, vector<16xi32>,
    %add3A_291 = arith.constant 304 : i32
    %add3A_292 = vector.broadcast %add3A_291 : i32 to vector<16xi32>
    %add3A_293 = arith.addi %add3A_292, %iota3A : vector<16xi32>
    %eq3A_294 = arith.cmpi eq, %add3A_293, %gather3A_44 : vector<16xi32>
    %jit3A_295 = arith.constant 1 : i32
    %jit3A_296 = arith.constant 0 : i32
    %broadcast_in_dim3A_297 = vector.broadcast %jit3A_295 : i32 to vector<16xi32>
    %broadcast_in_dim3A_298 = vector.broadcast %jit3A_296 : i32 to vector<16xi32>
    %select_n3A_299 = arith.select %eq3A_294, %broadcast_in_dim3A_297, %broadcast_in_dim3A_298 : vector<16xi1>, vector<16xi32>
    %swap3A_300 = arith.constant 304 : index
    %swap3A_301 = tpu.vector_load %arg5[%swap3A_300] {strides = array<i32>} : memref<1024xi32, #tpu.memory_space<vmem>>, vector<16xi32>,
    %swap3A_302 = vector.shape_cast %swap3A_301 : vector<16xi32> to vector<16xi32>
    %swap3A_303 = vector.shape_cast %select_n3A_299 : vector<16xi32> to vector<16xi32>
    tpu.vector_store %arg5[%swap3A_300], %swap3A_303 {strides = array<i32>} : memref<1024xi32, #tpu.memory_space<vmem>>, vector<16xi32>,
    %add3A_304 = arith.constant 320 : i32
    %add3A_305 = vector.broadcast %add3A_304 : i32 to vector<16xi32>
    %add3A_306 = arith.addi %add3A_305, %iota3A : vector<16xi32>
    %eq3A_307 = arith.cmpi eq, %add3A_306, %gather3A_44 : vector<16xi32>
    %jit3A_308 = arith.constant 1 : i32
    %jit3A_309 = arith.constant 0 : i32
    %broadcast_in_dim3A_310 = vector.broadcast %jit3A_308 : i32 to vector<16xi32>
    %broadcast_in_dim3A_311 = vector.broadcast %jit3A_309 : i32 to vector<16xi32>
    %select_n3A_312 = arith.select %eq3A_307, %broadcast_in_dim3A_310, %broadcast_in_dim3A_311 : vector<16xi1>, vector<16xi32>
    %swap3A_313 = arith.constant 320 : index
    %swap3A_314 = tpu.vector_load %arg5[%swap3A_313] {strides = array<i32>} : memref<1024xi32, #tpu.memory_space<vmem>>, vector<16xi32>,
    %swap3A_315 = vector.shape_cast %swap3A_314 : vector<16xi32> to vector<16xi32>
    %swap3A_316 = vector.shape_cast %select_n3A_312 : vector<16xi32> to vector<16xi32>
    tpu.vector_store %arg5[%swap3A_313], %swap3A_316 {strides = array<i32>} : memref<1024xi32, #tpu.memory_space<vmem>>, vector<16xi32>,
    %add3A_317 = arith.constant 336 : i32
    %add3A_318 = vector.broadcast %add3A_317 : i32 to vector<16xi32>
    %add3A_319 = arith.addi %add3A_318, %iota3A : vector<16xi32>
    %eq3A_320 = arith.cmpi eq, %add3A_319, %gather3A_44 : vector<16xi32>
    %jit3A_321 = arith.constant 1 : i32
    %jit3A_322 = arith.constant 0 : i32
    %broadcast_in_dim3A_323 = vector.broadcast %jit3A_321 : i32 to vector<16xi32>
    %broadcast_in_dim3A_324 = vector.broadcast %jit3A_322 : i32 to vector<16xi32>
    %select_n3A_325 = arith.select %eq3A_320, %broadcast_in_dim3A_323, %broadcast_in_dim3A_324 : vector<16xi1>, vector<16xi32>
    %swap3A_326 = arith.constant 336 : index
    %swap3A_327 = tpu.vector_load %arg5[%swap3A_326] {strides = array<i32>} : memref<1024xi32, #tpu.memory_space<vmem>>, vector<16xi32>,
    %swap3A_328 = vector.shape_cast %swap3A_327 : vector<16xi32> to vector<16xi32>
    %swap3A_329 = vector.shape_cast %select_n3A_325 : vector<16xi32> to vector<16xi32>
    tpu.vector_store %arg5[%swap3A_326], %swap3A_329 {strides = array<i32>} : memref<1024xi32, #tpu.memory_space<vmem>>, vector<16xi32>,
    %add3A_330 = arith.constant 352 : i32
    %add3A_331 = vector.broadcast %add3A_330 : i32 to vector<16xi32>
    %add3A_332 = arith.addi %add3A_331, %iota3A : vector<16xi32>
    %eq3A_333 = arith.cmpi eq, %add3A_332, %gather3A_44 : vector<16xi32>
    %jit3A_334 = arith.constant 1 : i32
    %jit3A_335 = arith.constant 0 : i32
    %broadcast_in_dim3A_336 = vector.broadcast %jit3A_334 : i32 to vector<16xi32>
    %broadcast_in_dim3A_337 = vector.broadcast %jit3A_335 : i32 to vector<16xi32>
    %select_n3A_338 = arith.select %eq3A_333, %broadcast_in_dim3A_336, %broadcast_in_dim3A_337 : vector<16xi1>, vector<16xi32>
    %swap3A_339 = arith.constant 352 : index
    %swap3A_340 = tpu.vector_load %arg5[%swap3A_339] {strides = array<i32>} : memref<1024xi32, #tpu.memory_space<vmem>>, vector<16xi32>,
    %swap3A_341 = vector.shape_cast %swap3A_340 : vector<16xi32> to vector<16xi32>
    %swap3A_342 = vector.shape_cast %select_n3A_338 : vector<16xi32> to vector<16xi32>
    tpu.vector_store %arg5[%swap3A_339], %swap3A_342 {strides = array<i32>} : memref<1024xi32, #tpu.memory_space<vmem>>, vector<16xi32>,
    %add3A_343 = arith.constant 368 : i32
    %add3A_344 = vector.broadcast %add3A_343 : i32 to vector<16xi32>
    %add3A_345 = arith.addi %add3A_344, %iota3A : vector<16xi32>
    %eq3A_346 = arith.cmpi eq, %add3A_345, %gather3A_44 : vector<16xi32>
    %jit3A_347 = arith.constant 1 : i32
    %jit3A_348 = arith.constant 0 : i32
    %broadcast_in_dim3A_349 = vector.broadcast %jit3A_347 : i32 to vector<16xi32>
    %broadcast_in_dim3A_350 = vector.broadcast %jit3A_348 : i32 to vector<16xi32>
    %select_n3A_351 = arith.select %eq3A_346, %broadcast_in_dim3A_349, %broadcast_in_dim3A_350 : vector<16xi1>, vector<16xi32>
    %swap3A_352 = arith.constant 368 : index
    %swap3A_353 = tpu.vector_load %arg5[%swap3A_352] {strides = array<i32>} : memref<1024xi32, #tpu.memory_space<vmem>>, vector<16xi32>,
    %swap3A_354 = vector.shape_cast %swap3A_353 : vector<16xi32> to vector<16xi32>
    %swap3A_355 = vector.shape_cast %select_n3A_351 : vector<16xi32> to vector<16xi32>
    tpu.vector_store %arg5[%swap3A_352], %swap3A_355 {strides = array<i32>} : memref<1024xi32, #tpu.memory_space<vmem>>, vector<16xi32>,
    %add3A_356 = arith.constant 384 : i32
    %add3A_357 = vector.broadcast %add3A_356 : i32 to vector<16xi32>
    %add3A_358 = arith.addi %add3A_357, %iota3A : vector<16xi32>
    %eq3A_359 = arith.cmpi eq, %add3A_358, %gather3A_44 : vector<16xi32>
    %jit3A_360 = arith.constant 1 : i32
    %jit3A_361 = arith.constant 0 : i32
    %broadcast_in_dim3A_362 = vector.broadcast %jit3A_360 : i32 to vector<16xi32>
    %broadcast_in_dim3A_363 = vector.broadcast %jit3A_361 : i32 to vector<16xi32>
    %select_n3A_364 = arith.select %eq3A_359, %broadcast_in_dim3A_362, %broadcast_in_dim3A_363 : vector<16xi1>, vector<16xi32>
    %swap3A_365 = arith.constant 384 : index
    %swap3A_366 = tpu.vector_load %arg5[%swap3A_365] {strides = array<i32>} : memref<1024xi32, #tpu.memory_space<vmem>>, vector<16xi32>,
    %swap3A_367 = vector.shape_cast %swap3A_366 : vector<16xi32> to vector<16xi32>
    %swap3A_368 = vector.shape_cast %select_n3A_364 : vector<16xi32> to vector<16xi32>
    tpu.vector_store %arg5[%swap3A_365], %swap3A_368 {strides = array<i32>} : memref<1024xi32, #tpu.memory_space<vmem>>, vector<16xi32>,
    %add3A_369 = arith.constant 400 : i32
    %add3A_370 = vector.broadcast %add3A_369 : i32 to vector<16xi32>
    %add3A_371 = arith.addi %add3A_370, %iota3A : vector<16xi32>
    %eq3A_372 = arith.cmpi eq, %add3A_371, %gather3A_44 : vector<16xi32>
    %jit3A_373 = arith.constant 1 : i32
    %jit3A_374 = arith.constant 0 : i32
    %broadcast_in_dim3A_375 = vector.broadcast %jit3A_373 : i32 to vector<16xi32>
    %broadcast_in_dim3A_376 = vector.broadcast %jit3A_374 : i32 to vector<16xi32>
    %select_n3A_377 = arith.select %eq3A_372, %broadcast_in_dim3A_375, %broadcast_in_dim3A_376 : vector<16xi1>, vector<16xi32>
    %swap3A_378 = arith.constant 400 : index
    %swap3A_379 = tpu.vector_load %arg5[%swap3A_378] {strides = array<i32>} : memref<1024xi32, #tpu.memory_space<vmem>>, vector<16xi32>,
    %swap3A_380 = vector.shape_cast %swap3A_379 : vector<16xi32> to vector<16xi32>
    %swap3A_381 = vector.shape_cast %select_n3A_377 : vector<16xi32> to vector<16xi32>
    tpu.vector_store %arg5[%swap3A_378], %swap3A_381 {strides = array<i32>} : memref<1024xi32, #tpu.memory_space<vmem>>, vector<16xi32>,
    %add3A_382 = arith.constant 416 : i32
    %add3A_383 = vector.broadcast %add3A_382 : i32 to vector<16xi32>
    %add3A_384 = arith.addi %add3A_383, %iota3A : vector<16xi32>
    %eq3A_385 = arith.cmpi eq, %add3A_384, %gather3A_44 : vector<16xi32>
    %jit3A_386 = arith.constant 1 : i32
    %jit3A_387 = arith.constant 0 : i32
    %broadcast_in_dim3A_388 = vector.broadcast %jit3A_386 : i32 to vector<16xi32>
    %broadcast_in_dim3A_389 = vector.broadcast %jit3A_387 : i32 to vector<16xi32>
    %select_n3A_390 = arith.select %eq3A_385, %broadcast_in_dim3A_388, %broadcast_in_dim3A_389 : vector<16xi1>, vector<16xi32>
    %swap3A_391 = arith.constant 416 : index
    %swap3A_392 = tpu.vector_load %arg5[%swap3A_391] {strides = array<i32>} : memref<1024xi32, #tpu.memory_space<vmem>>, vector<16xi32>,
    %swap3A_393 = vector.shape_cast %swap3A_392 : vector<16xi32> to vector<16xi32>
    %swap3A_394 = vector.shape_cast %select_n3A_390 : vector<16xi32> to vector<16xi32>
    tpu.vector_store %arg5[%swap3A_391], %swap3A_394 {strides = array<i32>} : memref<1024xi32, #tpu.memory_space<vmem>>, vector<16xi32>,
    %add3A_395 = arith.constant 432 : i32
    %add3A_396 = vector.broadcast %add3A_395 : i32 to vector<16xi32>
    %add3A_397 = arith.addi %add3A_396, %iota3A : vector<16xi32>
    %eq3A_398 = arith.cmpi eq, %add3A_397, %gather3A_44 : vector<16xi32>
    %jit3A_399 = arith.constant 1 : i32
    %jit3A_400 = arith.constant 0 : i32
    %broadcast_in_dim3A_401 = vector.broadcast %jit3A_399 : i32 to vector<16xi32>
    %broadcast_in_dim3A_402 = vector.broadcast %jit3A_400 : i32 to vector<16xi32>
    %select_n3A_403 = arith.select %eq3A_398, %broadcast_in_dim3A_401, %broadcast_in_dim3A_402 : vector<16xi1>, vector<16xi32>
    %swap3A_404 = arith.constant 432 : index
    %swap3A_405 = tpu.vector_load %arg5[%swap3A_404] {strides = array<i32>} : memref<1024xi32, #tpu.memory_space<vmem>>, vector<16xi32>,
    %swap3A_406 = vector.shape_cast %swap3A_405 : vector<16xi32> to vector<16xi32>
    %swap3A_407 = vector.shape_cast %select_n3A_403 : vector<16xi32> to vector<16xi32>
    tpu.vector_store %arg5[%swap3A_404], %swap3A_407 {strides = array<i32>} : memref<1024xi32, #tpu.memory_space<vmem>>, vector<16xi32>,
    %add3A_408 = arith.constant 448 : i32
    %add3A_409 = vector.broadcast %add3A_408 : i32 to vector<16xi32>
    %add3A_410 = arith.addi %add3A_409, %iota3A : vector<16xi32>
    %eq3A_411 = arith.cmpi eq, %add3A_410, %gather3A_44 : vector<16xi32>
    %jit3A_412 = arith.constant 1 : i32
    %jit3A_413 = arith.constant 0 : i32
    %broadcast_in_dim3A_414 = vector.broadcast %jit3A_412 : i32 to vector<16xi32>
    %broadcast_in_dim3A_415 = vector.broadcast %jit3A_413 : i32 to vector<16xi32>
    %select_n3A_416 = arith.select %eq3A_411, %broadcast_in_dim3A_414, %broadcast_in_dim3A_415 : vector<16xi1>, vector<16xi32>
    %swap3A_417 = arith.constant 448 : index
    %swap3A_418 = tpu.vector_load %arg5[%swap3A_417] {strides = array<i32>} : memref<1024xi32, #tpu.memory_space<vmem>>, vector<16xi32>,
    %swap3A_419 = vector.shape_cast %swap3A_418 : vector<16xi32> to vector<16xi32>
    %swap3A_420 = vector.shape_cast %select_n3A_416 : vector<16xi32> to vector<16xi32>
    tpu.vector_store %arg5[%swap3A_417], %swap3A_420 {strides = array<i32>} : memref<1024xi32, #tpu.memory_space<vmem>>, vector<16xi32>,
    %add3A_421 = arith.constant 464 : i32
    %add3A_422 = vector.broadcast %add3A_421 : i32 to vector<16xi32>
    %add3A_423 = arith.addi %add3A_422, %iota3A : vector<16xi32>
    %eq3A_424 = arith.cmpi eq, %add3A_423, %gather3A_44 : vector<16xi32>
    %jit3A_425 = arith.constant 1 : i32
    %jit3A_426 = arith.constant 0 : i32
    %broadcast_in_dim3A_427 = vector.broadcast %jit3A_425 : i32 to vector<16xi32>
    %broadcast_in_dim3A_428 = vector.broadcast %jit3A_426 : i32 to vector<16xi32>
    %select_n3A_429 = arith.select %eq3A_424, %broadcast_in_dim3A_427, %broadcast_in_dim3A_428 : vector<16xi1>, vector<16xi32>
    %swap3A_430 = arith.constant 464 : index
    %swap3A_431 = tpu.vector_load %arg5[%swap3A_430] {strides = array<i32>} : memref<1024xi32, #tpu.memory_space<vmem>>, vector<16xi32>,
    %swap3A_432 = vector.shape_cast %swap3A_431 : vector<16xi32> to vector<16xi32>
    %swap3A_433 = vector.shape_cast %select_n3A_429 : vector<16xi32> to vector<16xi32>
    tpu.vector_store %arg5[%swap3A_430], %swap3A_433 {strides = array<i32>} : memref<1024xi32, #tpu.memory_space<vmem>>, vector<16xi32>,
    %add3A_434 = arith.constant 480 : i32
    %add3A_435 = vector.broadcast %add3A_434 : i32 to vector<16xi32>
    %add3A_436 = arith.addi %add3A_435, %iota3A : vector<16xi32>
    %eq3A_437 = arith.cmpi eq, %add3A_436, %gather3A_44 : vector<16xi32>
    %jit3A_438 = arith.constant 1 : i32
    %jit3A_439 = arith.constant 0 : i32
    %broadcast_in_dim3A_440 = vector.broadcast %jit3A_438 : i32 to vector<16xi32>
    %broadcast_in_dim3A_441 = vector.broadcast %jit3A_439 : i32 to vector<16xi32>
    %select_n3A_442 = arith.select %eq3A_437, %broadcast_in_dim3A_440, %broadcast_in_dim3A_441 : vector<16xi1>, vector<16xi32>
    %swap3A_443 = arith.constant 480 : index
    %swap3A_444 = tpu.vector_load %arg5[%swap3A_443] {strides = array<i32>} : memref<1024xi32, #tpu.memory_space<vmem>>, vector<16xi32>,
    %swap3A_445 = vector.shape_cast %swap3A_444 : vector<16xi32> to vector<16xi32>
    %swap3A_446 = vector.shape_cast %select_n3A_442 : vector<16xi32> to vector<16xi32>
    tpu.vector_store %arg5[%swap3A_443], %swap3A_446 {strides = array<i32>} : memref<1024xi32, #tpu.memory_space<vmem>>, vector<16xi32>,
    %add3A_447 = arith.constant 496 : i32
    %add3A_448 = vector.broadcast %add3A_447 : i32 to vector<16xi32>
    %add3A_449 = arith.addi %add3A_448, %iota3A : vector<16xi32>
    %eq3A_450 = arith.cmpi eq, %add3A_449, %gather3A_44 : vector<16xi32>
    %jit3A_451 = arith.constant 1 : i32
    %jit3A_452 = arith.constant 0 : i32
    %broadcast_in_dim3A_453 = vector.broadcast %jit3A_451 : i32 to vector<16xi32>
    %broadcast_in_dim3A_454 = vector.broadcast %jit3A_452 : i32 to vector<16xi32>
    %select_n3A_455 = arith.select %eq3A_450, %broadcast_in_dim3A_453, %broadcast_in_dim3A_454 : vector<16xi1>, vector<16xi32>
    %swap3A_456 = arith.constant 496 : index
    %swap3A_457 = tpu.vector_load %arg5[%swap3A_456] {strides = array<i32>} : memref<1024xi32, #tpu.memory_space<vmem>>, vector<16xi32>,
    %swap3A_458 = vector.shape_cast %swap3A_457 : vector<16xi32> to vector<16xi32>
    %swap3A_459 = vector.shape_cast %select_n3A_455 : vector<16xi32> to vector<16xi32>
    tpu.vector_store %arg5[%swap3A_456], %swap3A_459 {strides = array<i32>} : memref<1024xi32, #tpu.memory_space<vmem>>, vector<16xi32>,
    %add3A_460 = arith.constant 512 : i32
    %add3A_461 = vector.broadcast %add3A_460 : i32 to vector<16xi32>
    %add3A_462 = arith.addi %add3A_461, %iota3A : vector<16xi32>
    %eq3A_463 = arith.cmpi eq, %add3A_462, %gather3A_44 : vector<16xi32>
    %jit3A_464 = arith.constant 1 : i32
    %jit3A_465 = arith.constant 0 : i32
    %broadcast_in_dim3A_466 = vector.broadcast %jit3A_464 : i32 to vector<16xi32>
    %broadcast_in_dim3A_467 = vector.broadcast %jit3A_465 : i32 to vector<16xi32>
    %select_n3A_468 = arith.select %eq3A_463, %broadcast_in_dim3A_466, %broadcast_in_dim3A_467 : vector<16xi1>, vector<16xi32>
    %swap3A_469 = arith.constant 512 : index
    %swap3A_470 = tpu.vector_load %arg5[%swap3A_469] {strides = array<i32>} : memref<1024xi32, #tpu.memory_space<vmem>>, vector<16xi32>,
    %swap3A_471 = vector.shape_cast %swap3A_470 : vector<16xi32> to vector<16xi32>
    %swap3A_472 = vector.shape_cast %select_n3A_468 : vector<16xi32> to vector<16xi32>
    tpu.vector_store %arg5[%swap3A_469], %swap3A_472 {strides = array<i32>} : memref<1024xi32, #tpu.memory_space<vmem>>, vector<16xi32>,
    %add3A_473 = arith.constant 528 : i32
    %add3A_474 = vector.broadcast %add3A_473 : i32 to vector<16xi32>
    %add3A_475 = arith.addi %add3A_474, %iota3A : vector<16xi32>
    %eq3A_476 = arith.cmpi eq, %add3A_475, %gather3A_44 : vector<16xi32>
    %jit3A_477 = arith.constant 1 : i32
    %jit3A_478 = arith.constant 0 : i32
    %broadcast_in_dim3A_479 = vector.broadcast %jit3A_477 : i32 to vector<16xi32>
    %broadcast_in_dim3A_480 = vector.broadcast %jit3A_478 : i32 to vector<16xi32>
    %select_n3A_481 = arith.select %eq3A_476, %broadcast_in_dim3A_479, %broadcast_in_dim3A_480 : vector<16xi1>, vector<16xi32>
    %swap3A_482 = arith.constant 528 : index
    %swap3A_483 = tpu.vector_load %arg5[%swap3A_482] {strides = array<i32>} : memref<1024xi32, #tpu.memory_space<vmem>>, vector<16xi32>,
    %swap3A_484 = vector.shape_cast %swap3A_483 : vector<16xi32> to vector<16xi32>
    %swap3A_485 = vector.shape_cast %select_n3A_481 : vector<16xi32> to vector<16xi32>
    tpu.vector_store %arg5[%swap3A_482], %swap3A_485 {strides = array<i32>} : memref<1024xi32, #tpu.memory_space<vmem>>, vector<16xi32>,
    %add3A_486 = arith.constant 544 : i32
    %add3A_487 = vector.broadcast %add3A_486 : i32 to vector<16xi32>
    %add3A_488 = arith.addi %add3A_487, %iota3A : vector<16xi32>
    %eq3A_489 = arith.cmpi eq, %add3A_488, %gather3A_44 : vector<16xi32>
    %jit3A_490 = arith.constant 1 : i32
    %jit3A_491 = arith.constant 0 : i32
    %broadcast_in_dim3A_492 = vector.broadcast %jit3A_490 : i32 to vector<16xi32>
    %broadcast_in_dim3A_493 = vector.broadcast %jit3A_491 : i32 to vector<16xi32>
    %select_n3A_494 = arith.select %eq3A_489, %broadcast_in_dim3A_492, %broadcast_in_dim3A_493 : vector<16xi1>, vector<16xi32>
    %swap3A_495 = arith.constant 544 : index
    %swap3A_496 = tpu.vector_load %arg5[%swap3A_495] {strides = array<i32>} : memref<1024xi32, #tpu.memory_space<vmem>>, vector<16xi32>,
    %swap3A_497 = vector.shape_cast %swap3A_496 : vector<16xi32> to vector<16xi32>
    %swap3A_498 = vector.shape_cast %select_n3A_494 : vector<16xi32> to vector<16xi32>
    tpu.vector_store %arg5[%swap3A_495], %swap3A_498 {strides = array<i32>} : memref<1024xi32, #tpu.memory_space<vmem>>, vector<16xi32>,
    %add3A_499 = arith.constant 560 : i32
    %add3A_500 = vector.broadcast %add3A_499 : i32 to vector<16xi32>
    %add3A_501 = arith.addi %add3A_500, %iota3A : vector<16xi32>
    %eq3A_502 = arith.cmpi eq, %add3A_501, %gather3A_44 : vector<16xi32>
    %jit3A_503 = arith.constant 1 : i32
    %jit3A_504 = arith.constant 0 : i32
    %broadcast_in_dim3A_505 = vector.broadcast %jit3A_503 : i32 to vector<16xi32>
    %broadcast_in_dim3A_506 = vector.broadcast %jit3A_504 : i32 to vector<16xi32>
    %select_n3A_507 = arith.select %eq3A_502, %broadcast_in_dim3A_505, %broadcast_in_dim3A_506 : vector<16xi1>, vector<16xi32>
    %swap3A_508 = arith.constant 560 : index
    %swap3A_509 = tpu.vector_load %arg5[%swap3A_508] {strides = array<i32>} : memref<1024xi32, #tpu.memory_space<vmem>>, vector<16xi32>,
    %swap3A_510 = vector.shape_cast %swap3A_509 : vector<16xi32> to vector<16xi32>
    %swap3A_511 = vector.shape_cast %select_n3A_507 : vector<16xi32> to vector<16xi32>
    tpu.vector_store %arg5[%swap3A_508], %swap3A_511 {strides = array<i32>} : memref<1024xi32, #tpu.memory_space<vmem>>, vector<16xi32>,
    %add3A_512 = arith.constant 576 : i32
    %add3A_513 = vector.broadcast %add3A_512 : i32 to vector<16xi32>
    %add3A_514 = arith.addi %add3A_513, %iota3A : vector<16xi32>
    %eq3A_515 = arith.cmpi eq, %add3A_514, %gather3A_44 : vector<16xi32>
    %jit3A_516 = arith.constant 1 : i32
    %jit3A_517 = arith.constant 0 : i32
    %broadcast_in_dim3A_518 = vector.broadcast %jit3A_516 : i32 to vector<16xi32>
    %broadcast_in_dim3A_519 = vector.broadcast %jit3A_517 : i32 to vector<16xi32>
    %select_n3A_520 = arith.select %eq3A_515, %broadcast_in_dim3A_518, %broadcast_in_dim3A_519 : vector<16xi1>, vector<16xi32>
    %swap3A_521 = arith.constant 576 : index
    %swap3A_522 = tpu.vector_load %arg5[%swap3A_521] {strides = array<i32>} : memref<1024xi32, #tpu.memory_space<vmem>>, vector<16xi32>,
    %swap3A_523 = vector.shape_cast %swap3A_522 : vector<16xi32> to vector<16xi32>
    %swap3A_524 = vector.shape_cast %select_n3A_520 : vector<16xi32> to vector<16xi32>
    tpu.vector_store %arg5[%swap3A_521], %swap3A_524 {strides = array<i32>} : memref<1024xi32, #tpu.memory_space<vmem>>, vector<16xi32>,
    %add3A_525 = arith.constant 592 : i32
    %add3A_526 = vector.broadcast %add3A_525 : i32 to vector<16xi32>
    %add3A_527 = arith.addi %add3A_526, %iota3A : vector<16xi32>
    %eq3A_528 = arith.cmpi eq, %add3A_527, %gather3A_44 : vector<16xi32>
    %jit3A_529 = arith.constant 1 : i32
    %jit3A_530 = arith.constant 0 : i32
    %broadcast_in_dim3A_531 = vector.broadcast %jit3A_529 : i32 to vector<16xi32>
    %broadcast_in_dim3A_532 = vector.broadcast %jit3A_530 : i32 to vector<16xi32>
    %select_n3A_533 = arith.select %eq3A_528, %broadcast_in_dim3A_531, %broadcast_in_dim3A_532 : vector<16xi1>, vector<16xi32>
    %swap3A_534 = arith.constant 592 : index
    %swap3A_535 = tpu.vector_load %arg5[%swap3A_534] {strides = array<i32>} : memref<1024xi32, #tpu.memory_space<vmem>>, vector<16xi32>,
    %swap3A_536 = vector.shape_cast %swap3A_535 : vector<16xi32> to vector<16xi32>
    %swap3A_537 = vector.shape_cast %select_n3A_533 : vector<16xi32> to vector<16xi32>
    tpu.vector_store %arg5[%swap3A_534], %swap3A_537 {strides = array<i32>} : memref<1024xi32, #tpu.memory_space<vmem>>, vector<16xi32>,
    %add3A_538 = arith.constant 608 : i32
    %add3A_539 = vector.broadcast %add3A_538 : i32 to vector<16xi32>
    %add3A_540 = arith.addi %add3A_539, %iota3A : vector<16xi32>
    %eq3A_541 = arith.cmpi eq, %add3A_540, %gather3A_44 : vector<16xi32>
    %jit3A_542 = arith.constant 1 : i32
    %jit3A_543 = arith.constant 0 : i32
    %broadcast_in_dim3A_544 = vector.broadcast %jit3A_542 : i32 to vector<16xi32>
    %broadcast_in_dim3A_545 = vector.broadcast %jit3A_543 : i32 to vector<16xi32>
    %select_n3A_546 = arith.select %eq3A_541, %broadcast_in_dim3A_544, %broadcast_in_dim3A_545 : vector<16xi1>, vector<16xi32>
    %swap3A_547 = arith.constant 608 : index
    %swap3A_548 = tpu.vector_load %arg5[%swap3A_547] {strides = array<i32>} : memref<1024xi32, #tpu.memory_space<vmem>>, vector<16xi32>,
    %swap3A_549 = vector.shape_cast %swap3A_548 : vector<16xi32> to vector<16xi32>
    %swap3A_550 = vector.shape_cast %select_n3A_546 : vector<16xi32> to vector<16xi32>
    tpu.vector_store %arg5[%swap3A_547], %swap3A_550 {strides = array<i32>} : memref<1024xi32, #tpu.memory_space<vmem>>, vector<16xi32>,
    %add3A_551 = arith.constant 624 : i32
    %add3A_552 = vector.broadcast %add3A_551 : i32 to vector<16xi32>
    %add3A_553 = arith.addi %add3A_552, %iota3A : vector<16xi32>
    %eq3A_554 = arith.cmpi eq, %add3A_553, %gather3A_44 : vector<16xi32>
    %jit3A_555 = arith.constant 1 : i32
    %jit3A_556 = arith.constant 0 : i32
    %broadcast_in_dim3A_557 = vector.broadcast %jit3A_555 : i32 to vector<16xi32>
    %broadcast_in_dim3A_558 = vector.broadcast %jit3A_556 : i32 to vector<16xi32>
    %select_n3A_559 = arith.select %eq3A_554, %broadcast_in_dim3A_557, %broadcast_in_dim3A_558 : vector<16xi1>, vector<16xi32>
    %swap3A_560 = arith.constant 624 : index
    %swap3A_561 = tpu.vector_load %arg5[%swap3A_560] {strides = array<i32>} : memref<1024xi32, #tpu.memory_space<vmem>>, vector<16xi32>,
    %swap3A_562 = vector.shape_cast %swap3A_561 : vector<16xi32> to vector<16xi32>
    %swap3A_563 = vector.shape_cast %select_n3A_559 : vector<16xi32> to vector<16xi32>
    tpu.vector_store %arg5[%swap3A_560], %swap3A_563 {strides = array<i32>} : memref<1024xi32, #tpu.memory_space<vmem>>, vector<16xi32>,
    %add3A_564 = arith.constant 640 : i32
    %add3A_565 = vector.broadcast %add3A_564 : i32 to vector<16xi32>
    %add3A_566 = arith.addi %add3A_565, %iota3A : vector<16xi32>
    %eq3A_567 = arith.cmpi eq, %add3A_566, %gather3A_44 : vector<16xi32>
    %jit3A_568 = arith.constant 1 : i32
    %jit3A_569 = arith.constant 0 : i32
    %broadcast_in_dim3A_570 = vector.broadcast %jit3A_568 : i32 to vector<16xi32>
    %broadcast_in_dim3A_571 = vector.broadcast %jit3A_569 : i32 to vector<16xi32>
    %select_n3A_572 = arith.select %eq3A_567, %broadcast_in_dim3A_570, %broadcast_in_dim3A_571 : vector<16xi1>, vector<16xi32>
    %swap3A_573 = arith.constant 640 : index
    %swap3A_574 = tpu.vector_load %arg5[%swap3A_573] {strides = array<i32>} : memref<1024xi32, #tpu.memory_space<vmem>>, vector<16xi32>,
    %swap3A_575 = vector.shape_cast %swap3A_574 : vector<16xi32> to vector<16xi32>
    %swap3A_576 = vector.shape_cast %select_n3A_572 : vector<16xi32> to vector<16xi32>
    tpu.vector_store %arg5[%swap3A_573], %swap3A_576 {strides = array<i32>} : memref<1024xi32, #tpu.memory_space<vmem>>, vector<16xi32>,
    %add3A_577 = arith.constant 656 : i32
    %add3A_578 = vector.broadcast %add3A_577 : i32 to vector<16xi32>
    %add3A_579 = arith.addi %add3A_578, %iota3A : vector<16xi32>
    %eq3A_580 = arith.cmpi eq, %add3A_579, %gather3A_44 : vector<16xi32>
    %jit3A_581 = arith.constant 1 : i32
    %jit3A_582 = arith.constant 0 : i32
    %broadcast_in_dim3A_583 = vector.broadcast %jit3A_581 : i32 to vector<16xi32>
    %broadcast_in_dim3A_584 = vector.broadcast %jit3A_582 : i32 to vector<16xi32>
    %select_n3A_585 = arith.select %eq3A_580, %broadcast_in_dim3A_583, %broadcast_in_dim3A_584 : vector<16xi1>, vector<16xi32>
    %swap3A_586 = arith.constant 656 : index
    %swap3A_587 = tpu.vector_load %arg5[%swap3A_586] {strides = array<i32>} : memref<1024xi32, #tpu.memory_space<vmem>>, vector<16xi32>,
    %swap3A_588 = vector.shape_cast %swap3A_587 : vector<16xi32> to vector<16xi32>
    %swap3A_589 = vector.shape_cast %select_n3A_585 : vector<16xi32> to vector<16xi32>
    tpu.vector_store %arg5[%swap3A_586], %swap3A_589 {strides = array<i32>} : memref<1024xi32, #tpu.memory_space<vmem>>, vector<16xi32>,
    %add3A_590 = arith.constant 672 : i32
    %add3A_591 = vector.broadcast %add3A_590 : i32 to vector<16xi32>
    %add3A_592 = arith.addi %add3A_591, %iota3A : vector<16xi32>
    %eq3A_593 = arith.cmpi eq, %add3A_592, %gather3A_44 : vector<16xi32>
    %jit3A_594 = arith.constant 1 : i32
    %jit3A_595 = arith.constant 0 : i32
    %broadcast_in_dim3A_596 = vector.broadcast %jit3A_594 : i32 to vector<16xi32>
    %broadcast_in_dim3A_597 = vector.broadcast %jit3A_595 : i32 to vector<16xi32>
    %select_n3A_598 = arith.select %eq3A_593, %broadcast_in_dim3A_596, %broadcast_in_dim3A_597 : vector<16xi1>, vector<16xi32>
    %swap3A_599 = arith.constant 672 : index
    %swap3A_600 = tpu.vector_load %arg5[%swap3A_599] {strides = array<i32>} : memref<1024xi32, #tpu.memory_space<vmem>>, vector<16xi32>,
    %swap3A_601 = vector.shape_cast %swap3A_600 : vector<16xi32> to vector<16xi32>
    %swap3A_602 = vector.shape_cast %select_n3A_598 : vector<16xi32> to vector<16xi32>
    tpu.vector_store %arg5[%swap3A_599], %swap3A_602 {strides = array<i32>} : memref<1024xi32, #tpu.memory_space<vmem>>, vector<16xi32>,
    %add3A_603 = arith.constant 688 : i32
    %add3A_604 = vector.broadcast %add3A_603 : i32 to vector<16xi32>
    %add3A_605 = arith.addi %add3A_604, %iota3A : vector<16xi32>
    %eq3A_606 = arith.cmpi eq, %add3A_605, %gather3A_44 : vector<16xi32>
    %jit3A_607 = arith.constant 1 : i32
    %jit3A_608 = arith.constant 0 : i32
    %broadcast_in_dim3A_609 = vector.broadcast %jit3A_607 : i32 to vector<16xi32>
    %broadcast_in_dim3A_610 = vector.broadcast %jit3A_608 : i32 to vector<16xi32>
    %select_n3A_611 = arith.select %eq3A_606, %broadcast_in_dim3A_609, %broadcast_in_dim3A_610 : vector<16xi1>, vector<16xi32>
    %swap3A_612 = arith.constant 688 : index
    %swap3A_613 = tpu.vector_load %arg5[%swap3A_612] {strides = array<i32>} : memref<1024xi32, #tpu.memory_space<vmem>>, vector<16xi32>,
    %swap3A_614 = vector.shape_cast %swap3A_613 : vector<16xi32> to vector<16xi32>
    %swap3A_615 = vector.shape_cast %select_n3A_611 : vector<16xi32> to vector<16xi32>
    tpu.vector_store %arg5[%swap3A_612], %swap3A_615 {strides = array<i32>} : memref<1024xi32, #tpu.memory_space<vmem>>, vector<16xi32>,
    %add3A_616 = arith.constant 704 : i32
    %add3A_617 = vector.broadcast %add3A_616 : i32 to vector<16xi32>
    %add3A_618 = arith.addi %add3A_617, %iota3A : vector<16xi32>
    %eq3A_619 = arith.cmpi eq, %add3A_618, %gather3A_44 : vector<16xi32>
    %jit3A_620 = arith.constant 1 : i32
    %jit3A_621 = arith.constant 0 : i32
    %broadcast_in_dim3A_622 = vector.broadcast %jit3A_620 : i32 to vector<16xi32>
    %broadcast_in_dim3A_623 = vector.broadcast %jit3A_621 : i32 to vector<16xi32>
    %select_n3A_624 = arith.select %eq3A_619, %broadcast_in_dim3A_622, %broadcast_in_dim3A_623 : vector<16xi1>, vector<16xi32>
    %swap3A_625 = arith.constant 704 : index
    %swap3A_626 = tpu.vector_load %arg5[%swap3A_625] {strides = array<i32>} : memref<1024xi32, #tpu.memory_space<vmem>>, vector<16xi32>,
    %swap3A_627 = vector.shape_cast %swap3A_626 : vector<16xi32> to vector<16xi32>
    %swap3A_628 = vector.shape_cast %select_n3A_624 : vector<16xi32> to vector<16xi32>
    tpu.vector_store %arg5[%swap3A_625], %swap3A_628 {strides = array<i32>} : memref<1024xi32, #tpu.memory_space<vmem>>, vector<16xi32>,
    %add3A_629 = arith.constant 720 : i32
    %add3A_630 = vector.broadcast %add3A_629 : i32 to vector<16xi32>
    %add3A_631 = arith.addi %add3A_630, %iota3A : vector<16xi32>
    %eq3A_632 = arith.cmpi eq, %add3A_631, %gather3A_44 : vector<16xi32>
    %jit3A_633 = arith.constant 1 : i32
    %jit3A_634 = arith.constant 0 : i32
    %broadcast_in_dim3A_635 = vector.broadcast %jit3A_633 : i32 to vector<16xi32>
    %broadcast_in_dim3A_636 = vector.broadcast %jit3A_634 : i32 to vector<16xi32>
    %select_n3A_637 = arith.select %eq3A_632, %broadcast_in_dim3A_635, %broadcast_in_dim3A_636 : vector<16xi1>, vector<16xi32>
    %swap3A_638 = arith.constant 720 : index
    %swap3A_639 = tpu.vector_load %arg5[%swap3A_638] {strides = array<i32>} : memref<1024xi32, #tpu.memory_space<vmem>>, vector<16xi32>,
    %swap3A_640 = vector.shape_cast %swap3A_639 : vector<16xi32> to vector<16xi32>
    %swap3A_641 = vector.shape_cast %select_n3A_637 : vector<16xi32> to vector<16xi32>
    tpu.vector_store %arg5[%swap3A_638], %swap3A_641 {strides = array<i32>} : memref<1024xi32, #tpu.memory_space<vmem>>, vector<16xi32>,
    %add3A_642 = arith.constant 736 : i32
    %add3A_643 = vector.broadcast %add3A_642 : i32 to vector<16xi32>
    %add3A_644 = arith.addi %add3A_643, %iota3A : vector<16xi32>
    %eq3A_645 = arith.cmpi eq, %add3A_644, %gather3A_44 : vector<16xi32>
    %jit3A_646 = arith.constant 1 : i32
    %jit3A_647 = arith.constant 0 : i32
    %broadcast_in_dim3A_648 = vector.broadcast %jit3A_646 : i32 to vector<16xi32>
    %broadcast_in_dim3A_649 = vector.broadcast %jit3A_647 : i32 to vector<16xi32>
    %select_n3A_650 = arith.select %eq3A_645, %broadcast_in_dim3A_648, %broadcast_in_dim3A_649 : vector<16xi1>, vector<16xi32>
    %swap3A_651 = arith.constant 736 : index
    %swap3A_652 = tpu.vector_load %arg5[%swap3A_651] {strides = array<i32>} : memref<1024xi32, #tpu.memory_space<vmem>>, vector<16xi32>,
    %swap3A_653 = vector.shape_cast %swap3A_652 : vector<16xi32> to vector<16xi32>
    %swap3A_654 = vector.shape_cast %select_n3A_650 : vector<16xi32> to vector<16xi32>
    tpu.vector_store %arg5[%swap3A_651], %swap3A_654 {strides = array<i32>} : memref<1024xi32, #tpu.memory_space<vmem>>, vector<16xi32>,
    %add3A_655 = arith.constant 752 : i32
    %add3A_656 = vector.broadcast %add3A_655 : i32 to vector<16xi32>
    %add3A_657 = arith.addi %add3A_656, %iota3A : vector<16xi32>
    %eq3A_658 = arith.cmpi eq, %add3A_657, %gather3A_44 : vector<16xi32>
    %jit3A_659 = arith.constant 1 : i32
    %jit3A_660 = arith.constant 0 : i32
    %broadcast_in_dim3A_661 = vector.broadcast %jit3A_659 : i32 to vector<16xi32>
    %broadcast_in_dim3A_662 = vector.broadcast %jit3A_660 : i32 to vector<16xi32>
    %select_n3A_663 = arith.select %eq3A_658, %broadcast_in_dim3A_661, %broadcast_in_dim3A_662 : vector<16xi1>, vector<16xi32>
    %swap3A_664 = arith.constant 752 : index
    %swap3A_665 = tpu.vector_load %arg5[%swap3A_664] {strides = array<i32>} : memref<1024xi32, #tpu.memory_space<vmem>>, vector<16xi32>,
    %swap3A_666 = vector.shape_cast %swap3A_665 : vector<16xi32> to vector<16xi32>
    %swap3A_667 = vector.shape_cast %select_n3A_663 : vector<16xi32> to vector<16xi32>
    tpu.vector_store %arg5[%swap3A_664], %swap3A_667 {strides = array<i32>} : memref<1024xi32, #tpu.memory_space<vmem>>, vector<16xi32>,
    %add3A_668 = arith.constant 768 : i32
    %add3A_669 = vector.broadcast %add3A_668 : i32 to vector<16xi32>
    %add3A_670 = arith.addi %add3A_669, %iota3A : vector<16xi32>
    %eq3A_671 = arith.cmpi eq, %add3A_670, %gather3A_44 : vector<16xi32>
    %jit3A_672 = arith.constant 1 : i32
    %jit3A_673 = arith.constant 0 : i32
    %broadcast_in_dim3A_674 = vector.broadcast %jit3A_672 : i32 to vector<16xi32>
    %broadcast_in_dim3A_675 = vector.broadcast %jit3A_673 : i32 to vector<16xi32>
    %select_n3A_676 = arith.select %eq3A_671, %broadcast_in_dim3A_674, %broadcast_in_dim3A_675 : vector<16xi1>, vector<16xi32>
    %swap3A_677 = arith.constant 768 : index
    %swap3A_678 = tpu.vector_load %arg5[%swap3A_677] {strides = array<i32>} : memref<1024xi32, #tpu.memory_space<vmem>>, vector<16xi32>,
    %swap3A_679 = vector.shape_cast %swap3A_678 : vector<16xi32> to vector<16xi32>
    %swap3A_680 = vector.shape_cast %select_n3A_676 : vector<16xi32> to vector<16xi32>
    tpu.vector_store %arg5[%swap3A_677], %swap3A_680 {strides = array<i32>} : memref<1024xi32, #tpu.memory_space<vmem>>, vector<16xi32>,
    %add3A_681 = arith.constant 784 : i32
    %add3A_682 = vector.broadcast %add3A_681 : i32 to vector<16xi32>
    %add3A_683 = arith.addi %add3A_682, %iota3A : vector<16xi32>
    %eq3A_684 = arith.cmpi eq, %add3A_683, %gather3A_44 : vector<16xi32>
    %jit3A_685 = arith.constant 1 : i32
    %jit3A_686 = arith.constant 0 : i32
    %broadcast_in_dim3A_687 = vector.broadcast %jit3A_685 : i32 to vector<16xi32>
    %broadcast_in_dim3A_688 = vector.broadcast %jit3A_686 : i32 to vector<16xi32>
    %select_n3A_689 = arith.select %eq3A_684, %broadcast_in_dim3A_687, %broadcast_in_dim3A_688 : vector<16xi1>, vector<16xi32>
    %swap3A_690 = arith.constant 784 : index
    %swap3A_691 = tpu.vector_load %arg5[%swap3A_690] {strides = array<i32>} : memref<1024xi32, #tpu.memory_space<vmem>>, vector<16xi32>,
    %swap3A_692 = vector.shape_cast %swap3A_691 : vector<16xi32> to vector<16xi32>
    %swap3A_693 = vector.shape_cast %select_n3A_689 : vector<16xi32> to vector<16xi32>
    tpu.vector_store %arg5[%swap3A_690], %swap3A_693 {strides = array<i32>} : memref<1024xi32, #tpu.memory_space<vmem>>, vector<16xi32>,
    %add3A_694 = arith.constant 800 : i32
    %add3A_695 = vector.broadcast %add3A_694 : i32 to vector<16xi32>
    %add3A_696 = arith.addi %add3A_695, %iota3A : vector<16xi32>
    %eq3A_697 = arith.cmpi eq, %add3A_696, %gather3A_44 : vector<16xi32>
    %jit3A_698 = arith.constant 1 : i32
    %jit3A_699 = arith.constant 0 : i32
    %broadcast_in_dim3A_700 = vector.broadcast %jit3A_698 : i32 to vector<16xi32>
    %broadcast_in_dim3A_701 = vector.broadcast %jit3A_699 : i32 to vector<16xi32>
    %select_n3A_702 = arith.select %eq3A_697, %broadcast_in_dim3A_700, %broadcast_in_dim3A_701 : vector<16xi1>, vector<16xi32>
    %swap3A_703 = arith.constant 800 : index
    %swap3A_704 = tpu.vector_load %arg5[%swap3A_703] {strides = array<i32>} : memref<1024xi32, #tpu.memory_space<vmem>>, vector<16xi32>,
    %swap3A_705 = vector.shape_cast %swap3A_704 : vector<16xi32> to vector<16xi32>
    %swap3A_706 = vector.shape_cast %select_n3A_702 : vector<16xi32> to vector<16xi32>
    tpu.vector_store %arg5[%swap3A_703], %swap3A_706 {strides = array<i32>} : memref<1024xi32, #tpu.memory_space<vmem>>, vector<16xi32>,
    %add3A_707 = arith.constant 816 : i32
    %add3A_708 = vector.broadcast %add3A_707 : i32 to vector<16xi32>
    %add3A_709 = arith.addi %add3A_708, %iota3A : vector<16xi32>
    %eq3A_710 = arith.cmpi eq, %add3A_709, %gather3A_44 : vector<16xi32>
    %jit3A_711 = arith.constant 1 : i32
    %jit3A_712 = arith.constant 0 : i32
    %broadcast_in_dim3A_713 = vector.broadcast %jit3A_711 : i32 to vector<16xi32>
    %broadcast_in_dim3A_714 = vector.broadcast %jit3A_712 : i32 to vector<16xi32>
    %select_n3A_715 = arith.select %eq3A_710, %broadcast_in_dim3A_713, %broadcast_in_dim3A_714 : vector<16xi1>, vector<16xi32>
    %swap3A_716 = arith.constant 816 : index
    %swap3A_717 = tpu.vector_load %arg5[%swap3A_716] {strides = array<i32>} : memref<1024xi32, #tpu.memory_space<vmem>>, vector<16xi32>,
    %swap3A_718 = vector.shape_cast %swap3A_717 : vector<16xi32> to vector<16xi32>
    %swap3A_719 = vector.shape_cast %select_n3A_715 : vector<16xi32> to vector<16xi32>
    tpu.vector_store %arg5[%swap3A_716], %swap3A_719 {strides = array<i32>} : memref<1024xi32, #tpu.memory_space<vmem>>, vector<16xi32>,
    %add3A_720 = arith.constant 832 : i32
    %add3A_721 = vector.broadcast %add3A_720 : i32 to vector<16xi32>
    %add3A_722 = arith.addi %add3A_721, %iota3A : vector<16xi32>
    %eq3A_723 = arith.cmpi eq, %add3A_722, %gather3A_44 : vector<16xi32>
    %jit3A_724 = arith.constant 1 : i32
    %jit3A_725 = arith.constant 0 : i32
    %broadcast_in_dim3A_726 = vector.broadcast %jit3A_724 : i32 to vector<16xi32>
    %broadcast_in_dim3A_727 = vector.broadcast %jit3A_725 : i32 to vector<16xi32>
    %select_n3A_728 = arith.select %eq3A_723, %broadcast_in_dim3A_726, %broadcast_in_dim3A_727 : vector<16xi1>, vector<16xi32>
    %swap3A_729 = arith.constant 832 : index
    %swap3A_730 = tpu.vector_load %arg5[%swap3A_729] {strides = array<i32>} : memref<1024xi32, #tpu.memory_space<vmem>>, vector<16xi32>,
    %swap3A_731 = vector.shape_cast %swap3A_730 : vector<16xi32> to vector<16xi32>
    %swap3A_732 = vector.shape_cast %select_n3A_728 : vector<16xi32> to vector<16xi32>
    tpu.vector_store %arg5[%swap3A_729], %swap3A_732 {strides = array<i32>} : memref<1024xi32, #tpu.memory_space<vmem>>, vector<16xi32>,
    %add3A_733 = arith.constant 848 : i32
    %add3A_734 = vector.broadcast %add3A_733 : i32 to vector<16xi32>
    %add3A_735 = arith.addi %add3A_734, %iota3A : vector<16xi32>
    %eq3A_736 = arith.cmpi eq, %add3A_735, %gather3A_44 : vector<16xi32>
    %jit3A_737 = arith.constant 1 : i32
    %jit3A_738 = arith.constant 0 : i32
    %broadcast_in_dim3A_739 = vector.broadcast %jit3A_737 : i32 to vector<16xi32>
    %broadcast_in_dim3A_740 = vector.broadcast %jit3A_738 : i32 to vector<16xi32>
    %select_n3A_741 = arith.select %eq3A_736, %broadcast_in_dim3A_739, %broadcast_in_dim3A_740 : vector<16xi1>, vector<16xi32>
    %swap3A_742 = arith.constant 848 : index
    %swap3A_743 = tpu.vector_load %arg5[%swap3A_742] {strides = array<i32>} : memref<1024xi32, #tpu.memory_space<vmem>>, vector<16xi32>,
    %swap3A_744 = vector.shape_cast %swap3A_743 : vector<16xi32> to vector<16xi32>
    %swap3A_745 = vector.shape_cast %select_n3A_741 : vector<16xi32> to vector<16xi32>
    tpu.vector_store %arg5[%swap3A_742], %swap3A_745 {strides = array<i32>} : memref<1024xi32, #tpu.memory_space<vmem>>, vector<16xi32>,
    %add3A_746 = arith.constant 864 : i32
    %add3A_747 = vector.broadcast %add3A_746 : i32 to vector<16xi32>
    %add3A_748 = arith.addi %add3A_747, %iota3A : vector<16xi32>
    %eq3A_749 = arith.cmpi eq, %add3A_748, %gather3A_44 : vector<16xi32>
    %jit3A_750 = arith.constant 1 : i32
    %jit3A_751 = arith.constant 0 : i32
    %broadcast_in_dim3A_752 = vector.broadcast %jit3A_750 : i32 to vector<16xi32>
    %broadcast_in_dim3A_753 = vector.broadcast %jit3A_751 : i32 to vector<16xi32>
    %select_n3A_754 = arith.select %eq3A_749, %broadcast_in_dim3A_752, %broadcast_in_dim3A_753 : vector<16xi1>, vector<16xi32>
    %swap3A_755 = arith.constant 864 : index
    %swap3A_756 = tpu.vector_load %arg5[%swap3A_755] {strides = array<i32>} : memref<1024xi32, #tpu.memory_space<vmem>>, vector<16xi32>,
    %swap3A_757 = vector.shape_cast %swap3A_756 : vector<16xi32> to vector<16xi32>
    %swap3A_758 = vector.shape_cast %select_n3A_754 : vector<16xi32> to vector<16xi32>
    tpu.vector_store %arg5[%swap3A_755], %swap3A_758 {strides = array<i32>} : memref<1024xi32, #tpu.memory_space<vmem>>, vector<16xi32>,
    %add3A_759 = arith.constant 880 : i32
    %add3A_760 = vector.broadcast %add3A_759 : i32 to vector<16xi32>
    %add3A_761 = arith.addi %add3A_760, %iota3A : vector<16xi32>
    %eq3A_762 = arith.cmpi eq, %add3A_761, %gather3A_44 : vector<16xi32>
    %jit3A_763 = arith.constant 1 : i32
    %jit3A_764 = arith.constant 0 : i32
    %broadcast_in_dim3A_765 = vector.broadcast %jit3A_763 : i32 to vector<16xi32>
    %broadcast_in_dim3A_766 = vector.broadcast %jit3A_764 : i32 to vector<16xi32>
    %select_n3A_767 = arith.select %eq3A_762, %broadcast_in_dim3A_765, %broadcast_in_dim3A_766 : vector<16xi1>, vector<16xi32>
    %swap3A_768 = arith.constant 880 : index
    %swap3A_769 = tpu.vector_load %arg5[%swap3A_768] {strides = array<i32>} : memref<1024xi32, #tpu.memory_space<vmem>>, vector<16xi32>,
    %swap3A_770 = vector.shape_cast %swap3A_769 : vector<16xi32> to vector<16xi32>
    %swap3A_771 = vector.shape_cast %select_n3A_767 : vector<16xi32> to vector<16xi32>
    tpu.vector_store %arg5[%swap3A_768], %swap3A_771 {strides = array<i32>} : memref<1024xi32, #tpu.memory_space<vmem>>, vector<16xi32>,
    %add3A_772 = arith.constant 896 : i32
    %add3A_773 = vector.broadcast %add3A_772 : i32 to vector<16xi32>
    %add3A_774 = arith.addi %add3A_773, %iota3A : vector<16xi32>
    %eq3A_775 = arith.cmpi eq, %add3A_774, %gather3A_44 : vector<16xi32>
    %jit3A_776 = arith.constant 1 : i32
    %jit3A_777 = arith.constant 0 : i32
    %broadcast_in_dim3A_778 = vector.broadcast %jit3A_776 : i32 to vector<16xi32>
    %broadcast_in_dim3A_779 = vector.broadcast %jit3A_777 : i32 to vector<16xi32>
    %select_n3A_780 = arith.select %eq3A_775, %broadcast_in_dim3A_778, %broadcast_in_dim3A_779 : vector<16xi1>, vector<16xi32>
    %swap3A_781 = arith.constant 896 : index
    %swap3A_782 = tpu.vector_load %arg5[%swap3A_781] {strides = array<i32>} : memref<1024xi32, #tpu.memory_space<vmem>>, vector<16xi32>,
    %swap3A_783 = vector.shape_cast %swap3A_782 : vector<16xi32> to vector<16xi32>
    %swap3A_784 = vector.shape_cast %select_n3A_780 : vector<16xi32> to vector<16xi32>
    tpu.vector_store %arg5[%swap3A_781], %swap3A_784 {strides = array<i32>} : memref<1024xi32, #tpu.memory_space<vmem>>, vector<16xi32>,
    %add3A_785 = arith.constant 912 : i32
    %add3A_786 = vector.broadcast %add3A_785 : i32 to vector<16xi32>
    %add3A_787 = arith.addi %add3A_786, %iota3A : vector<16xi32>
    %eq3A_788 = arith.cmpi eq, %add3A_787, %gather3A_44 : vector<16xi32>
    %jit3A_789 = arith.constant 1 : i32
    %jit3A_790 = arith.constant 0 : i32
    %broadcast_in_dim3A_791 = vector.broadcast %jit3A_789 : i32 to vector<16xi32>
    %broadcast_in_dim3A_792 = vector.broadcast %jit3A_790 : i32 to vector<16xi32>
    %select_n3A_793 = arith.select %eq3A_788, %broadcast_in_dim3A_791, %broadcast_in_dim3A_792 : vector<16xi1>, vector<16xi32>
    %swap3A_794 = arith.constant 912 : index
    %swap3A_795 = tpu.vector_load %arg5[%swap3A_794] {strides = array<i32>} : memref<1024xi32, #tpu.memory_space<vmem>>, vector<16xi32>,
    %swap3A_796 = vector.shape_cast %swap3A_795 : vector<16xi32> to vector<16xi32>
    %swap3A_797 = vector.shape_cast %select_n3A_793 : vector<16xi32> to vector<16xi32>
    tpu.vector_store %arg5[%swap3A_794], %swap3A_797 {strides = array<i32>} : memref<1024xi32, #tpu.memory_space<vmem>>, vector<16xi32>,
    %add3A_798 = arith.constant 928 : i32
    %add3A_799 = vector.broadcast %add3A_798 : i32 to vector<16xi32>
    %add3A_800 = arith.addi %add3A_799, %iota3A : vector<16xi32>
    %eq3A_801 = arith.cmpi eq, %add3A_800, %gather3A_44 : vector<16xi32>
    %jit3A_802 = arith.constant 1 : i32
    %jit3A_803 = arith.constant 0 : i32
    %broadcast_in_dim3A_804 = vector.broadcast %jit3A_802 : i32 to vector<16xi32>
    %broadcast_in_dim3A_805 = vector.broadcast %jit3A_803 : i32 to vector<16xi32>
    %select_n3A_806 = arith.select %eq3A_801, %broadcast_in_dim3A_804, %broadcast_in_dim3A_805 : vector<16xi1>, vector<16xi32>
    %swap3A_807 = arith.constant 928 : index
    %swap3A_808 = tpu.vector_load %arg5[%swap3A_807] {strides = array<i32>} : memref<1024xi32, #tpu.memory_space<vmem>>, vector<16xi32>,
    %swap3A_809 = vector.shape_cast %swap3A_808 : vector<16xi32> to vector<16xi32>
    %swap3A_810 = vector.shape_cast %select_n3A_806 : vector<16xi32> to vector<16xi32>
    tpu.vector_store %arg5[%swap3A_807], %swap3A_810 {strides = array<i32>} : memref<1024xi32, #tpu.memory_space<vmem>>, vector<16xi32>,
    %add3A_811 = arith.constant 944 : i32
    %add3A_812 = vector.broadcast %add3A_811 : i32 to vector<16xi32>
    %add3A_813 = arith.addi %add3A_812, %iota3A : vector<16xi32>
    %eq3A_814 = arith.cmpi eq, %add3A_813, %gather3A_44 : vector<16xi32>
    %jit3A_815 = arith.constant 1 : i32
    %jit3A_816 = arith.constant 0 : i32
    %broadcast_in_dim3A_817 = vector.broadcast %jit3A_815 : i32 to vector<16xi32>
    %broadcast_in_dim3A_818 = vector.broadcast %jit3A_816 : i32 to vector<16xi32>
    %select_n3A_819 = arith.select %eq3A_814, %broadcast_in_dim3A_817, %broadcast_in_dim3A_818 : vector<16xi1>, vector<16xi32>
    %swap3A_820 = arith.constant 944 : index
    %swap3A_821 = tpu.vector_load %arg5[%swap3A_820] {strides = array<i32>} : memref<1024xi32, #tpu.memory_space<vmem>>, vector<16xi32>,
    %swap3A_822 = vector.shape_cast %swap3A_821 : vector<16xi32> to vector<16xi32>
    %swap3A_823 = vector.shape_cast %select_n3A_819 : vector<16xi32> to vector<16xi32>
    tpu.vector_store %arg5[%swap3A_820], %swap3A_823 {strides = array<i32>} : memref<1024xi32, #tpu.memory_space<vmem>>, vector<16xi32>,
    %add3A_824 = arith.constant 960 : i32
    %add3A_825 = vector.broadcast %add3A_824 : i32 to vector<16xi32>
    %add3A_826 = arith.addi %add3A_825, %iota3A : vector<16xi32>
    %eq3A_827 = arith.cmpi eq, %add3A_826, %gather3A_44 : vector<16xi32>
    %jit3A_828 = arith.constant 1 : i32
    %jit3A_829 = arith.constant 0 : i32
    %broadcast_in_dim3A_830 = vector.broadcast %jit3A_828 : i32 to vector<16xi32>
    %broadcast_in_dim3A_831 = vector.broadcast %jit3A_829 : i32 to vector<16xi32>
    %select_n3A_832 = arith.select %eq3A_827, %broadcast_in_dim3A_830, %broadcast_in_dim3A_831 : vector<16xi1>, vector<16xi32>
    %swap3A_833 = arith.constant 960 : index
    %swap3A_834 = tpu.vector_load %arg5[%swap3A_833] {strides = array<i32>} : memref<1024xi32, #tpu.memory_space<vmem>>, vector<16xi32>,
    %swap3A_835 = vector.shape_cast %swap3A_834 : vector<16xi32> to vector<16xi32>
    %swap3A_836 = vector.shape_cast %select_n3A_832 : vector<16xi32> to vector<16xi32>
    tpu.vector_store %arg5[%swap3A_833], %swap3A_836 {strides = array<i32>} : memref<1024xi32, #tpu.memory_space<vmem>>, vector<16xi32>,
    %add3A_837 = arith.constant 976 : i32
    %add3A_838 = vector.broadcast %add3A_837 : i32 to vector<16xi32>
    %add3A_839 = arith.addi %add3A_838, %iota3A : vector<16xi32>
    %eq3A_840 = arith.cmpi eq, %add3A_839, %gather3A_44 : vector<16xi32>
    %jit3A_841 = arith.constant 1 : i32
    %jit3A_842 = arith.constant 0 : i32
    %broadcast_in_dim3A_843 = vector.broadcast %jit3A_841 : i32 to vector<16xi32>
    %broadcast_in_dim3A_844 = vector.broadcast %jit3A_842 : i32 to vector<16xi32>
    %select_n3A_845 = arith.select %eq3A_840, %broadcast_in_dim3A_843, %broadcast_in_dim3A_844 : vector<16xi1>, vector<16xi32>
    %swap3A_846 = arith.constant 976 : index
    %swap3A_847 = tpu.vector_load %arg5[%swap3A_846] {strides = array<i32>} : memref<1024xi32, #tpu.memory_space<vmem>>, vector<16xi32>,
    %swap3A_848 = vector.shape_cast %swap3A_847 : vector<16xi32> to vector<16xi32>
    %swap3A_849 = vector.shape_cast %select_n3A_845 : vector<16xi32> to vector<16xi32>
    tpu.vector_store %arg5[%swap3A_846], %swap3A_849 {strides = array<i32>} : memref<1024xi32, #tpu.memory_space<vmem>>, vector<16xi32>,
    %add3A_850 = arith.constant 992 : i32
    %add3A_851 = vector.broadcast %add3A_850 : i32 to vector<16xi32>
    %add3A_852 = arith.addi %add3A_851, %iota3A : vector<16xi32>
    %eq3A_853 = arith.cmpi eq, %add3A_852, %gather3A_44 : vector<16xi32>
    %jit3A_854 = arith.constant 1 : i32
    %jit3A_855 = arith.constant 0 : i32
    %broadcast_in_dim3A_856 = vector.broadcast %jit3A_854 : i32 to vector<16xi32>
    %broadcast_in_dim3A_857 = vector.broadcast %jit3A_855 : i32 to vector<16xi32>
    %select_n3A_858 = arith.select %eq3A_853, %broadcast_in_dim3A_856, %broadcast_in_dim3A_857 : vector<16xi1>, vector<16xi32>
    %swap3A_859 = arith.constant 992 : index
    %swap3A_860 = tpu.vector_load %arg5[%swap3A_859] {strides = array<i32>} : memref<1024xi32, #tpu.memory_space<vmem>>, vector<16xi32>,
    %swap3A_861 = vector.shape_cast %swap3A_860 : vector<16xi32> to vector<16xi32>
    %swap3A_862 = vector.shape_cast %select_n3A_858 : vector<16xi32> to vector<16xi32>
    tpu.vector_store %arg5[%swap3A_859], %swap3A_862 {strides = array<i32>} : memref<1024xi32, #tpu.memory_space<vmem>>, vector<16xi32>,
    %add3A_863 = arith.constant 1008 : i32
    %add3A_864 = vector.broadcast %add3A_863 : i32 to vector<16xi32>
    %add3A_865 = arith.addi %add3A_864, %iota3A : vector<16xi32>
    %eq3A_866 = arith.cmpi eq, %add3A_865, %gather3A_44 : vector<16xi32>
    %jit3A_867 = arith.constant 1 : i32
    %jit3A_868 = arith.constant 0 : i32
    %broadcast_in_dim3A_869 = vector.broadcast %jit3A_867 : i32 to vector<16xi32>
    %broadcast_in_dim3A_870 = vector.broadcast %jit3A_868 : i32 to vector<16xi32>
    %select_n3A_871 = arith.select %eq3A_866, %broadcast_in_dim3A_869, %broadcast_in_dim3A_870 : vector<16xi1>, vector<16xi32>
    %swap3A_872 = arith.constant 1008 : index
    %swap3A_873 = tpu.vector_load %arg5[%swap3A_872] {strides = array<i32>} : memref<1024xi32, #tpu.memory_space<vmem>>, vector<16xi32>,
    %swap3A_874 = vector.shape_cast %swap3A_873 : vector<16xi32> to vector<16xi32>
    %swap3A_875 = vector.shape_cast %select_n3A_871 : vector<16xi32> to vector<16xi32>
    tpu.vector_store %arg5[%swap3A_872], %swap3A_875 {strides = array<i32>} : memref<1024xi32, #tpu.memory_space<vmem>>, vector<16xi32>,
    "tpu.region"() ({
      %run_scoped3A = tpu.sem_alloc : memref<!tpu.dma_semaphore, #tpu.memory_space<semaphore_mem>>
      %dma_start3A = arith.constant 0 : i32
      %dma_start3A_876 = tpu.memref_slice %arg3[%add3A, %dma_start3A] : memref<32x1024xi32, #tpu.memory_space<hbm>> -> memref<1x1024xi32, #tpu.memory_space<hbm>>
      %dma_start3A_877 = tpu.memref_squeeze %dma_start3A_876 : memref<1x1024xi32, #tpu.memory_space<hbm>> -> memref<1024xi32, #tpu.memory_space<hbm>>
      %dma_start3A_878 = arith.constant 0 : i32
      %dma_start3A_879 = tpu.memref_slice %arg3[%add3A, %dma_start3A_878] : memref<32x1024xi32, #tpu.memory_space<hbm>> -> memref<1x1024xi32, #tpu.memory_space<hbm>>
      %dma_start3A_880 = tpu.memref_squeeze %dma_start3A_879 : memref<1x1024xi32, #tpu.memory_space<hbm>> -> memref<1024xi32, #tpu.memory_space<hbm>>
      tpu.enqueue_dma source(%arg5 : memref<1024xi32, #tpu.memory_space<vmem>>) target(%dma_start3A_880 : memref<1024xi32, #tpu.memory_space<hbm>>) target_semaphore(%run_scoped3A : memref<!tpu.dma_semaphore, #tpu.memory_space<semaphore_mem>>)
      %dma_wait3A = arith.constant 0 : i32
      %dma_wait3A_881 = tpu.memref_slice %arg3[%add3A, %dma_wait3A] : memref<32x1024xi32, #tpu.memory_space<hbm>> -> memref<1x1024xi32, #tpu.memory_space<hbm>>
      %dma_wait3A_882 = tpu.memref_squeeze %dma_wait3A_881 : memref<1x1024xi32, #tpu.memory_space<hbm>> -> memref<1024xi32, #tpu.memory_space<hbm>>
      %dma_wait3A_883 = arith.constant 0 : i32
      %dma_wait3A_884 = tpu.memref_slice %arg3[%add3A, %dma_wait3A_883] : memref<32x1024xi32, #tpu.memory_space<hbm>> -> memref<1x1024xi32, #tpu.memory_space<hbm>>
      %dma_wait3A_885 = tpu.memref_squeeze %dma_wait3A_884 : memref<1x1024xi32, #tpu.memory_space<hbm>> -> memref<1024xi32, #tpu.memory_space<hbm>>
      tpu.wait_dma2 semaphore(%run_scoped3A : memref<!tpu.dma_semaphore, #tpu.memory_space<semaphore_mem>>) src(%arg5 : memref<1024xi32, #tpu.memory_space<vmem>>) dst(%dma_wait3A_885 : memref<1024xi32, #tpu.memory_space<hbm>>)
      tpu.yield
    }) : () -> ()
    return
  }
}

module attributes {stable_mosaic.version = 14 : i64} {
  func.func @_verif_block(%arg0: i32, %arg1: memref<32x2560xf32, #tpu.memory_space<vmem>>, %arg2: memref<1x32xi32, #tpu.memory_space<vmem>>, %arg3: memref<256x2560xf32, #tpu.memory_space<vmem>>, %arg4: memref<256x2560xf32, #tpu.memory_space<vmem>>, %arg5: memref<2x2560xf32, #tpu.memory_space<vmem>>, %arg6: memref<1x2xf32, #tpu.memory_space<vmem>>, %arg7: memref<32x512xf32, #tpu.memory_space<vmem>>, %arg8: memref<32x512xf32, #tpu.memory_space<vmem>>, %arg9: memref<64x2560xf32, #tpu.memory_space<vmem>>, %arg10: memref<72x32xf32, #tpu.memory_space<vmem>>, %arg11: memref<8x32xf32, #tpu.memory_space<vmem>>) attributes {dimension_semantics = [#tpu.dimension_semantics<arbitrary>], iteration_bounds = array<i64: 2>, scalar_prefetch = 0 : i64, scratch_operands = 3 : i64, tpu.core_type = #tpu.core_type<tc>, window_params = [{pipeline_mode = #tpu.pipeline_mode<synchronous>, transform_indices = @transform_0, window_bounds = array<i64: 32, 2560>}, {pipeline_mode = #tpu.pipeline_mode<synchronous>, transform_indices = @transform_1, window_bounds = array<i64: 1, 32>}, {transform_indices = @transform_2, window_bounds = array<i64: 256, 2560>}, {transform_indices = @transform_3, window_bounds = array<i64: 256, 2560>}, {pipeline_mode = #tpu.pipeline_mode<synchronous>, transform_indices = @transform_4, window_bounds = array<i64: 2, 2560>}, {pipeline_mode = #tpu.pipeline_mode<synchronous>, transform_indices = @transform_5, window_bounds = array<i64: 1, 2>}, {transform_indices = @transform_6, window_bounds = array<i64: 32, 512>}, {transform_indices = @transform_7, window_bounds = array<i64: 32, 512>}]} {
    %get3A = arith.constant 0 : index
    %get3A_0 = arith.constant 0 : index
    %get3A_1 = vector.load %arg2[%get3A, %get3A_0] : memref<1x32xi32, #tpu.memory_space<vmem>>, vector<1x32xi32>
    %eq3A = arith.constant 0 : i32
    %eq3A_2 = arith.cmpi eq, %arg0, %eq3A : i32
    %convert_element_type3A = arith.extui %eq3A_2 : i1 to i32
    %cond3A = arith.constant 0 : i32
    %cond3A_3 = arith.cmpi ne, %convert_element_type3A, %cond3A : i32
    scf.if %cond3A_3 {
      %get3A_164 = arith.constant 0 : index
      %get3A_165 = arith.constant 0 : index
      %get3A_166 = vector.load %arg1[%get3A_164, %get3A_165] : memref<32x2560xf32, #tpu.memory_space<vmem>>, vector<32x2560xf32>
      %get3A_167 = arith.constant 0 : index
      %get3A_168 = arith.constant 0 : index
      %get3A_169 = vector.load %arg5[%get3A_167, %get3A_168] : memref<2x2560xf32, #tpu.memory_space<vmem>>, vector<2x2560xf32>
      %get3A_170 = arith.constant 0 : index
      %get3A_171 = arith.constant 0 : index
      %get3A_172 = vector.load %arg6[%get3A_170, %get3A_171] : memref<1x2xf32, #tpu.memory_space<vmem>>, vector<1x2xf32>
      %mul3A_173 = arith.constant 3.125000e-02 : f32
      %mul3A_174 = vector.broadcast %mul3A_173 : f32 to vector<32x2560xf32>
      %mul3A_175 = arith.mulf %get3A_166, %mul3A_174 : vector<32x2560xf32>
      %slice3A_176 = vector.extract_strided_slice %get3A_169 {offsets = [0, 0], sizes = [1, 2560], strides = [1, 1]} : vector<2x2560xf32> to vector<1x2560xf32>
      %squeeze3A_177 = vector.shape_cast %slice3A_176 : vector<1x2560xf32> to vector<2560xf32>
      %broadcast_in_dim3A_178 = vector.shape_cast %squeeze3A_177 : vector<2560xf32> to vector<1x2560xf32>
      %mul3A_179 = vector.broadcast %broadcast_in_dim3A_178 : vector<1x2560xf32> to vector<32x2560xf32>
      %mul3A_180 = arith.mulf %get3A_166, %mul3A_179 : vector<32x2560xf32>
      %slice3A_181 = vector.extract_strided_slice %get3A_169 {offsets = [1, 0], sizes = [1, 2560], strides = [1, 1]} : vector<2x2560xf32> to vector<1x2560xf32>
      %squeeze3A_182 = vector.shape_cast %slice3A_181 : vector<1x2560xf32> to vector<2560xf32>
      %broadcast_in_dim3A_183 = vector.shape_cast %squeeze3A_182 : vector<2560xf32> to vector<1x2560xf32>
      %mul3A_184 = vector.broadcast %broadcast_in_dim3A_183 : vector<1x2560xf32> to vector<32x2560xf32>
      %mul3A_185 = arith.mulf %get3A_166, %mul3A_184 : vector<32x2560xf32>
      %concatenate3A_186 = tpu.concatenate %mul3A_180, %mul3A_185 in 0 : vector<32x2560xf32>, vector<32x2560xf32> -> vector<64x2560xf32>
      %swap3A_187 = arith.constant 0 : index
      %swap3A_188 = arith.constant 0 : index
      %swap3A_189 = vector.load %arg9[%swap3A_187, %swap3A_188] : memref<64x2560xf32, #tpu.memory_space<vmem>>, vector<64x2560xf32>
      tpu.vector_store %arg9[%swap3A_187, %swap3A_188], %concatenate3A_186 {strides = array<i32>} : memref<64x2560xf32, #tpu.memory_space<vmem>>, vector<64x2560xf32>,
      %reshape3A_190 = vector.shape_cast %get3A_1 : vector<1x32xi32> to vector<32x1xi32>
      %eq3A_191 = vector.broadcast %reshape3A_190 : vector<32x1xi32> to vector<32x32xi32>
      %eq3A_192 = vector.broadcast %get3A_1 : vector<1x32xi32> to vector<32x32xi32>
      %eq3A_193 = arith.cmpi eq, %eq3A_191, %eq3A_192 : vector<32x32xi32>
      %convert_element_type3A_194 = arith.extui %eq3A_193 : vector<32x32xi1> to vector<32x32xi32>
      %convert_element_type3A_195 = arith.sitofp %convert_element_type3A_194 : vector<32x32xi32> to vector<32x32xf32>
      %iota3A_196 = tpu.iota {dimensions = array<i32: 0>} : vector<32x32xi32>
      %iota3A_197 = tpu.iota {dimensions = array<i32: 1>} : vector<32x32xi32>
      %lt3A = arith.cmpi slt, %iota3A_197, %iota3A_196 : vector<32x32xi32>
      %jit3A = arith.constant 0.000000e+00 : f32
      %broadcast_in_dim3A_198 = vector.broadcast %jit3A : f32 to vector<32x32xf32>
      %select_n3A = arith.select %lt3A, %convert_element_type3A_195, %broadcast_in_dim3A_198 : vector<32x32xi1>, vector<32x32xf32>
      %reduce_sum3A_199 = arith.constant dense<0.000000e+00> : vector<32xf32>
      %reduce_sum3A_200 = vector.multi_reduction <add>, %select_n3A, %reduce_sum3A_199 [1] : vector<32x32xf32> to vector<32xf32>
      %eq3A_201 = arith.constant 0.000000e+00 : f32
      %eq3A_202 = vector.broadcast %eq3A_201 : f32 to vector<32xf32>
      %eq3A_203 = arith.cmpf oeq, %reduce_sum3A_200, %eq3A_202 : vector<32xf32>
      %convert_element_type3A_204 = arith.extui %eq3A_203 : vector<32xi1> to vector<32xi32>
      %convert_element_type3A_205 = arith.sitofp %convert_element_type3A_204 : vector<32xi32> to vector<32xf32>
      %dot_general3A_206 = arith.constant dense<0.000000e+00> : vector<32x2560xf32>
      %dot_general3A_207 = tpu.matmul %convert_element_type3A_195, %mul3A_175, %dot_general3A_206 {dimension_numbers = #tpu.dot_dimension_numbers<[1], [0], [0], [1], [0, 0, 1, 1], [], []>, transpose_lhs_hint = false} : vector<32x32xf32>, vector<32x2560xf32>, vector<32x2560xf32> -> vector<32x2560xf32>
      %dot_general3A_208 = arith.constant dense<0.000000e+00> : vector<64x32xf32>
      %dot_general3A_209 = tpu.matmul %concatenate3A_186, %dot_general3A_207, %dot_general3A_208 {dimension_numbers = #tpu.dot_dimension_numbers<[1], [1], [0], [0], [0, 0, 1, 0], [], []>, transpose_lhs_hint = false} : vector<64x2560xf32>, vector<32x2560xf32>, vector<64x32xf32> -> vector<64x32xf32>
      %mul3A_210 = arith.mulf %dot_general3A_207, %dot_general3A_207 : vector<32x2560xf32>
      %slice3A_211 = vector.extract_strided_slice %get3A_169 {offsets = [0, 0], sizes = [1, 2560], strides = [1, 1]} : vector<2x2560xf32> to vector<1x2560xf32>
      %squeeze3A_212 = vector.shape_cast %slice3A_211 : vector<1x2560xf32> to vector<2560xf32>
      %broadcast_in_dim3A_213 = vector.shape_cast %squeeze3A_212 : vector<2560xf32> to vector<1x2560xf32>
      %mul3A_214 = vector.broadcast %broadcast_in_dim3A_213 : vector<1x2560xf32> to vector<32x2560xf32>
      %mul3A_215 = arith.mulf %mul3A_210, %mul3A_214 : vector<32x2560xf32>
      %reduce_sum3A_216 = arith.constant dense<0.000000e+00> : vector<32xf32>
      %reduce_sum3A_217 = vector.multi_reduction <add>, %mul3A_215, %reduce_sum3A_216 [1] : vector<32x2560xf32> to vector<32xf32>
      %slice3A_218 = vector.extract_strided_slice %get3A_169 {offsets = [1, 0], sizes = [1, 2560], strides = [1, 1]} : vector<2x2560xf32> to vector<1x2560xf32>
      %squeeze3A_219 = vector.shape_cast %slice3A_218 : vector<1x2560xf32> to vector<2560xf32>
      %broadcast_in_dim3A_220 = vector.shape_cast %squeeze3A_219 : vector<2560xf32> to vector<1x2560xf32>
      %mul3A_221 = vector.broadcast %broadcast_in_dim3A_220 : vector<1x2560xf32> to vector<32x2560xf32>
      %mul3A_222 = arith.mulf %mul3A_210, %mul3A_221 : vector<32x2560xf32>
      %reduce_sum3A_223 = arith.constant dense<0.000000e+00> : vector<32xf32>
      %reduce_sum3A_224 = vector.multi_reduction <add>, %mul3A_222, %reduce_sum3A_223 [1] : vector<32x2560xf32> to vector<32xf32>
      %broadcast_in_dim3A_225 = vector.shape_cast %reduce_sum3A_217 : vector<32xf32> to vector<1x32xf32>
      %broadcast_in_dim3A_226 = vector.shape_cast %reduce_sum3A_224 : vector<32xf32> to vector<1x32xf32>
      %broadcast_in_dim3A_227 = arith.constant 0.000000e+00 : f32
      %broadcast_in_dim3A_228 = vector.broadcast %broadcast_in_dim3A_227 : f32 to vector<6x32xf32>
      %concatenate3A_229 = tpu.concatenate %dot_general3A_209, %broadcast_in_dim3A_225, %broadcast_in_dim3A_226, %broadcast_in_dim3A_228 in 0 : vector<64x32xf32>, vector<1x32xf32>, vector<1x32xf32>, vector<6x32xf32> -> vector<72x32xf32>
      %broadcast_in_dim3A_230 = vector.shape_cast %convert_element_type3A_205 : vector<32xf32> to vector<1x32xf32>
      %mul3A_231 = vector.broadcast %broadcast_in_dim3A_230 : vector<1x32xf32> to vector<72x32xf32>
      %mul3A_232 = arith.mulf %concatenate3A_229, %mul3A_231 : vector<72x32xf32>
      %swap3A_233 = arith.constant 0 : index
      %swap3A_234 = arith.constant 0 : index
      %swap3A_235 = vector.load %arg10[%swap3A_233, %swap3A_234] : memref<72x32xf32, #tpu.memory_space<vmem>>, vector<72x32xf32>
      tpu.vector_store %arg10[%swap3A_233, %swap3A_234], %mul3A_232 {strides = array<i32>} : memref<72x32xf32, #tpu.memory_space<vmem>>, vector<72x32xf32>,
      %mul3A_236 = arith.mulf %get3A_166, %get3A_166 : vector<32x2560xf32>
      %slice3A_237 = vector.extract_strided_slice %get3A_169 {offsets = [0, 0], sizes = [1, 2560], strides = [1, 1]} : vector<2x2560xf32> to vector<1x2560xf32>
      %squeeze3A_238 = vector.shape_cast %slice3A_237 : vector<1x2560xf32> to vector<2560xf32>
      %broadcast_in_dim3A_239 = vector.shape_cast %squeeze3A_238 : vector<2560xf32> to vector<1x2560xf32>
      %mul3A_240 = vector.broadcast %broadcast_in_dim3A_239 : vector<1x2560xf32> to vector<32x2560xf32>
      %mul3A_241 = arith.mulf %mul3A_236, %mul3A_240 : vector<32x2560xf32>
      %reduce_sum3A_242 = arith.constant dense<0.000000e+00> : vector<32xf32>
      %reduce_sum3A_243 = vector.multi_reduction <add>, %mul3A_241, %reduce_sum3A_242 [1] : vector<32x2560xf32> to vector<32xf32>
      %slice3A_244 = vector.extract_strided_slice %get3A_172 {offsets = [0, 0], sizes = [1, 1], strides = [1, 1]} : vector<1x2xf32> to vector<1x1xf32>
      %squeeze3A_245 = vector.extract %slice3A_244[0, 0] : f32 from vector<1x1xf32>
      %add3A_246 = vector.broadcast %squeeze3A_245 : f32 to vector<32xf32>
      %add3A_247 = arith.addf %reduce_sum3A_243, %add3A_246 : vector<32xf32>
      %slice3A_248 = vector.extract_strided_slice %get3A_169 {offsets = [1, 0], sizes = [1, 2560], strides = [1, 1]} : vector<2x2560xf32> to vector<1x2560xf32>
      %squeeze3A_249 = vector.shape_cast %slice3A_248 : vector<1x2560xf32> to vector<2560xf32>
      %broadcast_in_dim3A_250 = vector.shape_cast %squeeze3A_249 : vector<2560xf32> to vector<1x2560xf32>
      %mul3A_251 = vector.broadcast %broadcast_in_dim3A_250 : vector<1x2560xf32> to vector<32x2560xf32>
      %mul3A_252 = arith.mulf %mul3A_236, %mul3A_251 : vector<32x2560xf32>
      %reduce_sum3A_253 = arith.constant dense<0.000000e+00> : vector<32xf32>
      %reduce_sum3A_254 = vector.multi_reduction <add>, %mul3A_252, %reduce_sum3A_253 [1] : vector<32x2560xf32> to vector<32xf32>
      %slice3A_255 = vector.extract_strided_slice %get3A_172 {offsets = [0, 1], sizes = [1, 1], strides = [1, 1]} : vector<1x2xf32> to vector<1x1xf32>
      %squeeze3A_256 = vector.extract %slice3A_255[0, 0] : f32 from vector<1x1xf32>
      %add3A_257 = vector.broadcast %squeeze3A_256 : f32 to vector<32xf32>
      %add3A_258 = arith.addf %reduce_sum3A_254, %add3A_257 : vector<32xf32>
      %broadcast_in_dim3A_259 = vector.shape_cast %add3A_247 : vector<32xf32> to vector<1x32xf32>
      %broadcast_in_dim3A_260 = vector.shape_cast %add3A_258 : vector<32xf32> to vector<1x32xf32>
      %broadcast_in_dim3A_261 = arith.constant 0.000000e+00 : f32
      %broadcast_in_dim3A_262 = vector.broadcast %broadcast_in_dim3A_261 : f32 to vector<6x32xf32>
      %concatenate3A_263 = tpu.concatenate %broadcast_in_dim3A_259, %broadcast_in_dim3A_260, %broadcast_in_dim3A_262 in 0 : vector<1x32xf32>, vector<1x32xf32>, vector<6x32xf32> -> vector<8x32xf32>
      %swap3A_264 = arith.constant 0 : index
      %swap3A_265 = arith.constant 0 : index
      %swap3A_266 = vector.load %arg11[%swap3A_264, %swap3A_265] : memref<8x32xf32, #tpu.memory_space<vmem>>, vector<8x32xf32>
      tpu.vector_store %arg11[%swap3A_264, %swap3A_265], %concatenate3A_263 {strides = array<i32>} : memref<8x32xf32, #tpu.memory_space<vmem>>, vector<8x32xf32>,
    } else {
    }
    %get3A_4 = arith.constant 0 : index
    %get3A_5 = arith.constant 0 : index
    %get3A_6 = vector.load %arg5[%get3A_4, %get3A_5] : memref<2x2560xf32, #tpu.memory_space<vmem>>, vector<2x2560xf32>
    %get3A_7 = arith.constant 0 : index
    %get3A_8 = arith.constant 0 : index
    %get3A_9 = vector.load %arg9[%get3A_7, %get3A_8] : memref<64x2560xf32, #tpu.memory_space<vmem>>, vector<64x2560xf32>
    %get3A_10 = arith.constant 0 : index
    %get3A_11 = arith.constant 0 : index
    %get3A_12 = vector.load %arg10[%get3A_10, %get3A_11] : memref<72x32xf32, #tpu.memory_space<vmem>>, vector<72x32xf32>
    %get3A_13 = arith.constant 0 : index
    %get3A_14 = arith.constant 0 : index
    %get3A_15 = vector.load %arg11[%get3A_13, %get3A_14] : memref<8x32xf32, #tpu.memory_space<vmem>>, vector<8x32xf32>
    %get3A_16 = arith.constant 0 : index
    %get3A_17 = arith.constant 0 : index
    %get3A_18 = vector.load %arg3[%get3A_16, %get3A_17] : memref<256x2560xf32, #tpu.memory_space<vmem>>, vector<256x2560xf32>
    %mul3A = arith.mulf %get3A_18, %get3A_18 : vector<256x2560xf32>
    %dot_general3A = arith.constant dense<0.000000e+00> : vector<64x256xf32>
    %dot_general3A_19 = tpu.matmul %get3A_9, %get3A_18, %dot_general3A {dimension_numbers = #tpu.dot_dimension_numbers<[1], [1], [0], [0], [0, 0, 1, 0], [], []>, transpose_lhs_hint = false} : vector<64x2560xf32>, vector<256x2560xf32>, vector<64x256xf32> -> vector<64x256xf32>
    %dot_general3A_20 = arith.constant dense<0.000000e+00> : vector<2x256xf32>
    %dot_general3A_21 = tpu.matmul %get3A_6, %mul3A, %dot_general3A_20 {dimension_numbers = #tpu.dot_dimension_numbers<[1], [1], [0], [0], [0, 0, 1, 0], [], []>, transpose_lhs_hint = false} : vector<2x2560xf32>, vector<256x2560xf32>, vector<2x256xf32> -> vector<2x256xf32>
    %mul3A_22 = arith.constant 2 : i32
    %mul3A_23 = arith.muli %mul3A_22, %arg0 : i32
    %add3A = arith.constant 0 : i32
    %add3A_24 = arith.addi %mul3A_23, %add3A : i32
    %mul3A_25 = arith.constant 256 : i32
    %mul3A_26 = arith.muli %add3A_24, %mul3A_25 : i32
    %iota3A = tpu.iota {dimensions = array<i32: 1>} : vector<32x256xi32>
    %add3A_27 = vector.broadcast %mul3A_26 : i32 to vector<32x256xi32>
    %add3A_28 = arith.addi %add3A_27, %iota3A : vector<32x256xi32>
    %reshape3A = vector.shape_cast %get3A_1 : vector<1x32xi32> to vector<32x1xi32>
    %eq3A_29 = vector.broadcast %reshape3A : vector<32x1xi32> to vector<32x256xi32>
    %eq3A_30 = arith.cmpi eq, %eq3A_29, %add3A_28 : vector<32x256xi32>
    %convert_element_type3A_31 = arith.extui %eq3A_30 : vector<32x256xi1> to vector<32x256xi32>
    %convert_element_type3A_32 = arith.sitofp %convert_element_type3A_31 : vector<32x256xi32> to vector<32x256xf32>
    %dot_general3A_33 = arith.constant dense<0.000000e+00> : vector<72x256xf32>
    %dot_general3A_34 = tpu.matmul %get3A_12, %convert_element_type3A_32, %dot_general3A_33 {dimension_numbers = #tpu.dot_dimension_numbers<[1], [0], [0], [1], [0, 0, 1, 1], [], []>, transpose_lhs_hint = false} : vector<72x32xf32>, vector<32x256xf32>, vector<72x256xf32> -> vector<72x256xf32>
    %slice3A = vector.extract_strided_slice %dot_general3A_19 {offsets = [0, 0], sizes = [32, 256], strides = [1, 1]} : vector<64x256xf32> to vector<32x256xf32>
    %mul3A_35 = arith.mulf %convert_element_type3A_32, %slice3A : vector<32x256xf32>
    %reduce_sum3A = arith.constant dense<0.000000e+00> : vector<256xf32>
    %reduce_sum3A_36 = vector.multi_reduction <add>, %mul3A_35, %reduce_sum3A [0] : vector<32x256xf32> to vector<256xf32>
    %mul3A_37 = arith.constant 6.250000e-02 : f32
    %mul3A_38 = vector.broadcast %mul3A_37 : f32 to vector<256xf32>
    %mul3A_39 = arith.mulf %mul3A_38, %reduce_sum3A_36 : vector<256xf32>
    %slice3A_40 = vector.extract_strided_slice %dot_general3A_21 {offsets = [0, 0], sizes = [1, 256], strides = [1, 1]} : vector<2x256xf32> to vector<1x256xf32>
    %squeeze3A = vector.shape_cast %slice3A_40 : vector<1x256xf32> to vector<256xf32>
    %slice3A_41 = vector.extract_strided_slice %dot_general3A_34 {offsets = [64, 0], sizes = [1, 256], strides = [1, 1]} : vector<72x256xf32> to vector<1x256xf32>
    %squeeze3A_42 = vector.shape_cast %slice3A_41 : vector<1x256xf32> to vector<256xf32>
    %add3A_43 = arith.addf %squeeze3A, %squeeze3A_42 : vector<256xf32>
    %add3A_44 = arith.addf %add3A_43, %mul3A_39 : vector<256xf32>
    %slice3A_45 = vector.extract_strided_slice %get3A_15 {offsets = [0, 0], sizes = [1, 32], strides = [1, 1]} : vector<8x32xf32> to vector<1x32xf32>
    %squeeze3A_46 = vector.shape_cast %slice3A_45 : vector<1x32xf32> to vector<32xf32>
    %broadcast_in_dim3A = vector.shape_cast %squeeze3A_46 : vector<32xf32> to vector<32x1xf32>
    %slice3A_47 = vector.extract_strided_slice %dot_general3A_34 {offsets = [0, 0], sizes = [32, 256], strides = [1, 1]} : vector<72x256xf32> to vector<32x256xf32>
    %add3A_48 = arith.addf %slice3A, %slice3A_47 : vector<32x256xf32>
    %mul3A_49 = arith.constant 2.000000e+00 : f32
    %mul3A_50 = vector.broadcast %mul3A_49 : f32 to vector<32x256xf32>
    %mul3A_51 = arith.mulf %mul3A_50, %add3A_48 : vector<32x256xf32>
    %sub3A = vector.broadcast %broadcast_in_dim3A : vector<32x1xf32> to vector<32x256xf32>
    %sub3A_52 = arith.subf %sub3A, %mul3A_51 : vector<32x256xf32>
    %broadcast_in_dim3A_53 = vector.shape_cast %add3A_44 : vector<256xf32> to vector<1x256xf32>
    %add3A_54 = vector.broadcast %broadcast_in_dim3A_53 : vector<1x256xf32> to vector<32x256xf32>
    %add3A_55 = arith.addf %sub3A_52, %add3A_54 : vector<32x256xf32>
    %slice3A_56 = vector.extract_strided_slice %dot_general3A_19 {offsets = [32, 0], sizes = [32, 256], strides = [1, 1]} : vector<64x256xf32> to vector<32x256xf32>
    %mul3A_57 = arith.mulf %convert_element_type3A_32, %slice3A_56 : vector<32x256xf32>
    %reduce_sum3A_58 = arith.constant dense<0.000000e+00> : vector<256xf32>
    %reduce_sum3A_59 = vector.multi_reduction <add>, %mul3A_57, %reduce_sum3A_58 [0] : vector<32x256xf32> to vector<256xf32>
    %mul3A_60 = arith.constant 6.250000e-02 : f32
    %mul3A_61 = vector.broadcast %mul3A_60 : f32 to vector<256xf32>
    %mul3A_62 = arith.mulf %mul3A_61, %reduce_sum3A_59 : vector<256xf32>
    %slice3A_63 = vector.extract_strided_slice %dot_general3A_21 {offsets = [1, 0], sizes = [1, 256], strides = [1, 1]} : vector<2x256xf32> to vector<1x256xf32>
    %squeeze3A_64 = vector.shape_cast %slice3A_63 : vector<1x256xf32> to vector<256xf32>
    %slice3A_65 = vector.extract_strided_slice %dot_general3A_34 {offsets = [65, 0], sizes = [1, 256], strides = [1, 1]} : vector<72x256xf32> to vector<1x256xf32>
    %squeeze3A_66 = vector.shape_cast %slice3A_65 : vector<1x256xf32> to vector<256xf32>
    %add3A_67 = arith.addf %squeeze3A_64, %squeeze3A_66 : vector<256xf32>
    %add3A_68 = arith.addf %add3A_67, %mul3A_62 : vector<256xf32>
    %slice3A_69 = vector.extract_strided_slice %get3A_15 {offsets = [1, 0], sizes = [1, 32], strides = [1, 1]} : vector<8x32xf32> to vector<1x32xf32>
    %squeeze3A_70 = vector.shape_cast %slice3A_69 : vector<1x32xf32> to vector<32xf32>
    %broadcast_in_dim3A_71 = vector.shape_cast %squeeze3A_70 : vector<32xf32> to vector<32x1xf32>
    %slice3A_72 = vector.extract_strided_slice %dot_general3A_34 {offsets = [32, 0], sizes = [32, 256], strides = [1, 1]} : vector<72x256xf32> to vector<32x256xf32>
    %add3A_73 = arith.addf %slice3A_56, %slice3A_72 : vector<32x256xf32>
    %mul3A_74 = arith.constant 2.000000e+00 : f32
    %mul3A_75 = vector.broadcast %mul3A_74 : f32 to vector<32x256xf32>
    %mul3A_76 = arith.mulf %mul3A_75, %add3A_73 : vector<32x256xf32>
    %sub3A_77 = vector.broadcast %broadcast_in_dim3A_71 : vector<32x1xf32> to vector<32x256xf32>
    %sub3A_78 = arith.subf %sub3A_77, %mul3A_76 : vector<32x256xf32>
    %broadcast_in_dim3A_79 = vector.shape_cast %add3A_68 : vector<256xf32> to vector<1x256xf32>
    %add3A_80 = vector.broadcast %broadcast_in_dim3A_79 : vector<1x256xf32> to vector<32x256xf32>
    %add3A_81 = arith.addf %sub3A_78, %add3A_80 : vector<32x256xf32>
    %get3A_82 = arith.constant 0 : index
    %get3A_83 = arith.constant 0 : index
    %get3A_84 = vector.load %arg4[%get3A_82, %get3A_83] : memref<256x2560xf32, #tpu.memory_space<vmem>>, vector<256x2560xf32>
    %mul3A_85 = arith.mulf %get3A_84, %get3A_84 : vector<256x2560xf32>
    %dot_general3A_86 = arith.constant dense<0.000000e+00> : vector<64x256xf32>
    %dot_general3A_87 = tpu.matmul %get3A_9, %get3A_84, %dot_general3A_86 {dimension_numbers = #tpu.dot_dimension_numbers<[1], [1], [0], [0], [0, 0, 1, 0], [], []>, transpose_lhs_hint = false} : vector<64x2560xf32>, vector<256x2560xf32>, vector<64x256xf32> -> vector<64x256xf32>
    %dot_general3A_88 = arith.constant dense<0.000000e+00> : vector<2x256xf32>
    %dot_general3A_89 = tpu.matmul %get3A_6, %mul3A_85, %dot_general3A_88 {dimension_numbers = #tpu.dot_dimension_numbers<[1], [1], [0], [0], [0, 0, 1, 0], [], []>, transpose_lhs_hint = false} : vector<2x2560xf32>, vector<256x2560xf32>, vector<2x256xf32> -> vector<2x256xf32>
    %mul3A_90 = arith.constant 2 : i32
    %mul3A_91 = arith.muli %mul3A_90, %arg0 : i32
    %add3A_92 = arith.constant 1 : i32
    %add3A_93 = arith.addi %mul3A_91, %add3A_92 : i32
    %mul3A_94 = arith.constant 256 : i32
    %mul3A_95 = arith.muli %add3A_93, %mul3A_94 : i32
    %iota3A_96 = tpu.iota {dimensions = array<i32: 1>} : vector<32x256xi32>
    %add3A_97 = vector.broadcast %mul3A_95 : i32 to vector<32x256xi32>
    %add3A_98 = arith.addi %add3A_97, %iota3A_96 : vector<32x256xi32>
    %reshape3A_99 = vector.shape_cast %get3A_1 : vector<1x32xi32> to vector<32x1xi32>
    %eq3A_100 = vector.broadcast %reshape3A_99 : vector<32x1xi32> to vector<32x256xi32>
    %eq3A_101 = arith.cmpi eq, %eq3A_100, %add3A_98 : vector<32x256xi32>
    %convert_element_type3A_102 = arith.extui %eq3A_101 : vector<32x256xi1> to vector<32x256xi32>
    %convert_element_type3A_103 = arith.sitofp %convert_element_type3A_102 : vector<32x256xi32> to vector<32x256xf32>
    %dot_general3A_104 = arith.constant dense<0.000000e+00> : vector<72x256xf32>
    %dot_general3A_105 = tpu.matmul %get3A_12, %convert_element_type3A_103, %dot_general3A_104 {dimension_numbers = #tpu.dot_dimension_numbers<[1], [0], [0], [1], [0, 0, 1, 1], [], []>, transpose_lhs_hint = false} : vector<72x32xf32>, vector<32x256xf32>, vector<72x256xf32> -> vector<72x256xf32>
    %slice3A_106 = vector.extract_strided_slice %dot_general3A_87 {offsets = [0, 0], sizes = [32, 256], strides = [1, 1]} : vector<64x256xf32> to vector<32x256xf32>
    %mul3A_107 = arith.mulf %convert_element_type3A_103, %slice3A_106 : vector<32x256xf32>
    %reduce_sum3A_108 = arith.constant dense<0.000000e+00> : vector<256xf32>
    %reduce_sum3A_109 = vector.multi_reduction <add>, %mul3A_107, %reduce_sum3A_108 [0] : vector<32x256xf32> to vector<256xf32>
    %mul3A_110 = arith.constant 6.250000e-02 : f32
    %mul3A_111 = vector.broadcast %mul3A_110 : f32 to vector<256xf32>
    %mul3A_112 = arith.mulf %mul3A_111, %reduce_sum3A_109 : vector<256xf32>
    %slice3A_113 = vector.extract_strided_slice %dot_general3A_89 {offsets = [0, 0], sizes = [1, 256], strides = [1, 1]} : vector<2x256xf32> to vector<1x256xf32>
    %squeeze3A_114 = vector.shape_cast %slice3A_113 : vector<1x256xf32> to vector<256xf32>
    %slice3A_115 = vector.extract_strided_slice %dot_general3A_105 {offsets = [64, 0], sizes = [1, 256], strides = [1, 1]} : vector<72x256xf32> to vector<1x256xf32>
    %squeeze3A_116 = vector.shape_cast %slice3A_115 : vector<1x256xf32> to vector<256xf32>
    %add3A_117 = arith.addf %squeeze3A_114, %squeeze3A_116 : vector<256xf32>
    %add3A_118 = arith.addf %add3A_117, %mul3A_112 : vector<256xf32>
    %slice3A_119 = vector.extract_strided_slice %get3A_15 {offsets = [0, 0], sizes = [1, 32], strides = [1, 1]} : vector<8x32xf32> to vector<1x32xf32>
    %squeeze3A_120 = vector.shape_cast %slice3A_119 : vector<1x32xf32> to vector<32xf32>
    %broadcast_in_dim3A_121 = vector.shape_cast %squeeze3A_120 : vector<32xf32> to vector<32x1xf32>
    %slice3A_122 = vector.extract_strided_slice %dot_general3A_105 {offsets = [0, 0], sizes = [32, 256], strides = [1, 1]} : vector<72x256xf32> to vector<32x256xf32>
    %add3A_123 = arith.addf %slice3A_106, %slice3A_122 : vector<32x256xf32>
    %mul3A_124 = arith.constant 2.000000e+00 : f32
    %mul3A_125 = vector.broadcast %mul3A_124 : f32 to vector<32x256xf32>
    %mul3A_126 = arith.mulf %mul3A_125, %add3A_123 : vector<32x256xf32>
    %sub3A_127 = vector.broadcast %broadcast_in_dim3A_121 : vector<32x1xf32> to vector<32x256xf32>
    %sub3A_128 = arith.subf %sub3A_127, %mul3A_126 : vector<32x256xf32>
    %broadcast_in_dim3A_129 = vector.shape_cast %add3A_118 : vector<256xf32> to vector<1x256xf32>
    %add3A_130 = vector.broadcast %broadcast_in_dim3A_129 : vector<1x256xf32> to vector<32x256xf32>
    %add3A_131 = arith.addf %sub3A_128, %add3A_130 : vector<32x256xf32>
    %slice3A_132 = vector.extract_strided_slice %dot_general3A_87 {offsets = [32, 0], sizes = [32, 256], strides = [1, 1]} : vector<64x256xf32> to vector<32x256xf32>
    %mul3A_133 = arith.mulf %convert_element_type3A_103, %slice3A_132 : vector<32x256xf32>
    %reduce_sum3A_134 = arith.constant dense<0.000000e+00> : vector<256xf32>
    %reduce_sum3A_135 = vector.multi_reduction <add>, %mul3A_133, %reduce_sum3A_134 [0] : vector<32x256xf32> to vector<256xf32>
    %mul3A_136 = arith.constant 6.250000e-02 : f32
    %mul3A_137 = vector.broadcast %mul3A_136 : f32 to vector<256xf32>
    %mul3A_138 = arith.mulf %mul3A_137, %reduce_sum3A_135 : vector<256xf32>
    %slice3A_139 = vector.extract_strided_slice %dot_general3A_89 {offsets = [1, 0], sizes = [1, 256], strides = [1, 1]} : vector<2x256xf32> to vector<1x256xf32>
    %squeeze3A_140 = vector.shape_cast %slice3A_139 : vector<1x256xf32> to vector<256xf32>
    %slice3A_141 = vector.extract_strided_slice %dot_general3A_105 {offsets = [65, 0], sizes = [1, 256], strides = [1, 1]} : vector<72x256xf32> to vector<1x256xf32>
    %squeeze3A_142 = vector.shape_cast %slice3A_141 : vector<1x256xf32> to vector<256xf32>
    %add3A_143 = arith.addf %squeeze3A_140, %squeeze3A_142 : vector<256xf32>
    %add3A_144 = arith.addf %add3A_143, %mul3A_138 : vector<256xf32>
    %slice3A_145 = vector.extract_strided_slice %get3A_15 {offsets = [1, 0], sizes = [1, 32], strides = [1, 1]} : vector<8x32xf32> to vector<1x32xf32>
    %squeeze3A_146 = vector.shape_cast %slice3A_145 : vector<1x32xf32> to vector<32xf32>
    %broadcast_in_dim3A_147 = vector.shape_cast %squeeze3A_146 : vector<32xf32> to vector<32x1xf32>
    %slice3A_148 = vector.extract_strided_slice %dot_general3A_105 {offsets = [32, 0], sizes = [32, 256], strides = [1, 1]} : vector<72x256xf32> to vector<32x256xf32>
    %add3A_149 = arith.addf %slice3A_132, %slice3A_148 : vector<32x256xf32>
    %mul3A_150 = arith.constant 2.000000e+00 : f32
    %mul3A_151 = vector.broadcast %mul3A_150 : f32 to vector<32x256xf32>
    %mul3A_152 = arith.mulf %mul3A_151, %add3A_149 : vector<32x256xf32>
    %sub3A_153 = vector.broadcast %broadcast_in_dim3A_147 : vector<32x1xf32> to vector<32x256xf32>
    %sub3A_154 = arith.subf %sub3A_153, %mul3A_152 : vector<32x256xf32>
    %broadcast_in_dim3A_155 = vector.shape_cast %add3A_144 : vector<256xf32> to vector<1x256xf32>
    %add3A_156 = vector.broadcast %broadcast_in_dim3A_155 : vector<1x256xf32> to vector<32x256xf32>
    %add3A_157 = arith.addf %sub3A_154, %add3A_156 : vector<32x256xf32>
    %concatenate3A = tpu.concatenate %add3A_55, %add3A_131 in 1 : vector<32x256xf32>, vector<32x256xf32> -> vector<32x512xf32>
    %swap3A = arith.constant 0 : index
    %swap3A_158 = arith.constant 0 : index
    %swap3A_159 = vector.load %arg7[%swap3A, %swap3A_158] : memref<32x512xf32, #tpu.memory_space<vmem>>, vector<32x512xf32>
    tpu.vector_store %arg7[%swap3A, %swap3A_158], %concatenate3A {strides = array<i32>} : memref<32x512xf32, #tpu.memory_space<vmem>>, vector<32x512xf32>,
    %concatenate3A_160 = tpu.concatenate %add3A_81, %add3A_157 in 1 : vector<32x256xf32>, vector<32x256xf32> -> vector<32x512xf32>
    %swap3A_161 = arith.constant 0 : index
    %swap3A_162 = arith.constant 0 : index
    %swap3A_163 = vector.load %arg8[%swap3A_161, %swap3A_162] : memref<32x512xf32, #tpu.memory_space<vmem>>, vector<32x512xf32>
    tpu.vector_store %arg8[%swap3A_161, %swap3A_162], %concatenate3A_160 {strides = array<i32>} : memref<32x512xf32, #tpu.memory_space<vmem>>, vector<32x512xf32>,
    return
  }
  func.func @transform_0(%arg0: i32) -> (i32, i32) {
    %c0_i32 = arith.constant 0 : i32
    %c0_i32_0 = arith.constant 0 : i32
    %c0_i32_1 = arith.constant 0 : i32
    return %c0_i32, %c0_i32_0 : i32, i32
  }
  func.func @transform_1(%arg0: i32) -> (i32, i32) {
    %c0_i32 = arith.constant 0 : i32
    %c0_i32_0 = arith.constant 0 : i32
    %c0_i32_1 = arith.constant 0 : i32
    return %c0_i32, %c0_i32_0 : i32, i32
  }
  func.func @transform_2(%arg0: i32) -> (i32, i32) {
    %mul3A = arith.constant 2 : i32
    %mul3A_0 = arith.muli %mul3A, %arg0 : i32
    %c0_i32 = arith.constant 0 : i32
    %c0_i32_1 = arith.constant 0 : i32
    return %mul3A_0, %c0_i32 : i32, i32
  }
  func.func @transform_3(%arg0: i32) -> (i32, i32) {
    %mul3A = arith.constant 2 : i32
    %mul3A_0 = arith.muli %mul3A, %arg0 : i32
    %add3A = arith.constant 1 : i32
    %add3A_1 = arith.addi %mul3A_0, %add3A : i32
    %c0_i32 = arith.constant 0 : i32
    %c0_i32_2 = arith.constant 0 : i32
    return %add3A_1, %c0_i32 : i32, i32
  }
  func.func @transform_4(%arg0: i32) -> (i32, i32) {
    %c0_i32 = arith.constant 0 : i32
    %c0_i32_0 = arith.constant 0 : i32
    %c0_i32_1 = arith.constant 0 : i32
    return %c0_i32, %c0_i32_0 : i32, i32
  }
  func.func @transform_5(%arg0: i32) -> (i32, i32) {
    %c0_i32 = arith.constant 0 : i32
    %c0_i32_0 = arith.constant 0 : i32
    %c0_i32_1 = arith.constant 0 : i32
    return %c0_i32, %c0_i32_0 : i32, i32
  }
  func.func @transform_6(%arg0: i32) -> (i32, i32) {
    %c0_i32 = arith.constant 0 : i32
    %c0_i32_0 = arith.constant 0 : i32
    return %c0_i32, %arg0 : i32, i32
  }
  func.func @transform_7(%arg0: i32) -> (i32, i32) {
    %c0_i32 = arith.constant 0 : i32
    %c0_i32_0 = arith.constant 0 : i32
    return %c0_i32, %arg0 : i32, i32
  }
}

</mosaic_0001>

<sc_bundles>
// kernel: kernel.4.cloned.1.call-start
scs
__scs_entry_jumppad:
0x0: {  	(pc) =	sbr.rel $0x88, $3  }
0x1: {  	(tag) =	ssettag $0x0;
	lr =	simm.s32 $0x1  }
0x2: {  	[smem:$0x3F9C] =	sst lr;
	_ =	strace $0xD0000000  }
0x3: {  	_ = 	snop  }
0x4: {  	_ = 	snop  }
0x5: {  	_ = 	snop  }
0x6: {  	_ = 	snop  }
0x7: {  	_ = 	snop  }
__scs_overlays_trampoline_lowered:
0x8: {  	[smem:$0x3FAB] =	sst s0  }
0x9: {  	[smem:$0x3FAC] =	sst s1  }
0xa: {  	[smem:$0x3FAD] =	sst s2  }
0xb: {  	[smem:$0x3FAE] =	sst s3  }
0xc: {  	[smem:$0x3FAF] =	sst s4  }
0xd: {  	[smem:$0x3FB0] =	sst s5  }
0xe: {  	[smem:$0x3FB1] =	sst s6  }
0xf: {  	[smem:$0x3FB2] =	sst s7  }
0x10: {  	[smem:$0x3FB3] =	sst s8  }
0x11: {  	[smem:$0x3FB4] =	sst s9;
	s0 =	simm.s32 @!p0 $0x0  }
0x12: {  	s1 =	sld [smem:$0x3F9A];
	s0 =	simm.s32 @p0 $0x1  }
0x13: {  	[smem:$0x3FB5] =	sst s0;
	s0 =	simm.s32 @!p1 $0x0  }
0x14: {  	s2 =	sld [smem:$0x3F99];
	s0 =	simm.s32 @p1 $0x1  }
0x15: {  	[smem:$0x3FB6] =	sst s0;
	s0 =	simm.s32 @!p2 $0x0  }
0x16: {  	s3 =	sld [smem:$0x3FDB];
	s0 =	simm.s32 @p2 $0x1  }
0x17: {  	s4 =	simm.s32 $0x1BF5;
	[smem:$0x3FB8] =	sst s0  }
0x18: {  	s0 =	sld [smem:$0x3F9B];
	_ =	swait.ge [sflag:s4], $0x0  }
0x19: {  	s7 =	sld [smem:$0x3F9C]  }
0x1a: {  	s8 =	sadd.s32 $0xFFFFE003, lr  }
0x1b: {  	s9 =	sadd.s32 $0xFFFFFEF7, lr;
	s5 =	simm.s32 $0xFFFFFFFF;
	p2 =	slt.u32 s8, $0xFFFFF086  }
0x1c: {  	p1 =	slt.u32 s9, $0xF7A;
	s5 =	simm.s32 @!p2 $0x0  }
0x1d: {  	s5 =	simm.s32 @p1 $0x1;
	p0 =	seq.s32 s7, s2  }
0x1e: {  	s7 =	smul.u32 @!p0 $0xF7A, s2;
	p2 =	seq.s32 @!p0 s5, $0x0  }
0x1f: {  	s9 =	smul.u32 $0xF7A, s1;
	s8 =	simm.s32 @!p0 $0x1BF5;
	p2 =	por !p2, p0  }
0x20: {  	[sflag:s8] =	ssyncset.s32 @!p0 $0xFFFFF086;
	s6 =	sadd.s32 @!p0 s3, s7;
	s7 =	simm.s32 @!p0 $0x108  }
0x21: {  	s3 =	sadd.s32 s3, s9;
	s6 =	sadd.s32 @!p0 $0x88, s6;
	s7 =	simm.s32 @p2 $0x1082  }
0x22: {  	[simem:s7], [sflag:s8] =	dma.local @!p0 [hbm:s6], $0xF7A  }
0x23: {  	s9 =	sor.u32 $0xD0000000, s2;
	s6 =	simm.s32 $0x108;
	_ =	swait.ge @!p0 [sflag:s8], $0x0  }
0x24: {  	s3 =	sadd.s32 $0x88, s3;
	s6 =	simm.s32 @!p1 $0x1082;
	[sflag:s4] =	ssyncset.s32 $0xFFFFF086  }
0x25: {  	[simem:s6], [sflag:s4] =	dma.local [hbm:s3], $0xF7A  }
0x26: {  	[smem:$0x3F9C] =	sst s1;
	(tag) =	ssettag s2;
	_ =	strace s9  }
0x27: {  	s1 =	sld [smem:$0x3FAC]  }
0x28: {  	s2 =	sld [smem:$0x3FAD]  }
0x29: {  	s4 =	sld [smem:$0x3FAF]  }
0x2a: {  	p0 =	seq.s32 s5, $0x0;
	s5 =	sld [smem:$0x3FB0]  }
0x2b: {  	s6 =	sld [smem:$0x3FB1]  }
0x2c: {  	s7 =	sld [smem:$0x3FB2]  }
0x2d: {  	s3 =	simm.s32 $0x108;
	s8 =	sld [smem:$0x3FB3]  }
0x2e: {  	s3 =	simm.s32 @!p0 $0x1082;
	s9 =	sld [smem:$0x3FB4]  }
0x2f: {  	lr =	sadd.s32 s0, s3;
	s0 =	sld [smem:$0x3FAB]  }
0x30: {  	s3 =	sld [smem:$0x3FAE]  }
0x31: {  	[smem:$0x3FB7] =	sst s10  }
0x32: {  	s10 =	sld [smem:$0x3FB5];
	_ =	sdelay $0x3  }
0x33: {  	p0 =	seq.s32 s10, $0x1;
	s10 =	sld [smem:$0x3FB7];
	_ =	sdelay $0x3  }
0x34: {  	[smem:$0x3FB7] =	sst s10  }
0x35: {  	s10 =	sld [smem:$0x3FB6];
	_ =	sdelay $0x3  }
0x36: {  	p1 =	seq.s32 s10, $0x1;
	s10 =	sld [smem:$0x3FB7];
	_ =	sdelay $0x3  }
0x37: {  	[smem:$0x3FB7] =	sst s10  }
0x38: {  	s10 =	sld [smem:$0x3FB8]  }
0x39: {  	_ = 	snop;
	(pc) =	sbr.ind lr, $3  }
0x3a: {  	_ = 	snop  }
0x3b: {  	_ = 	snop  }
0x3c: {  	p2 =	seq.s32 s10, $0x1;
	s10 =	sld [smem:$0x3FB7]  }
0x3d: {  	_ =	shalt  }
0x3e: {  	_ =	shalt  }
0x3f: {  	_ =	shalt  }
0x40: {  	_ =	shalt  }
0x41: {  	_ =	shalt  }
0x42: {  	_ =	shalt  }
0x43: {  	_ =	shalt  }
0x44: {  	_ =	shalt  }
0x45: {  	_ =	shalt  }
0x46: {  	_ =	shalt  }
0x47: {  	_ =	shalt  }
0x48: {  	_ =	shalt  }
0x49: {  	_ =	shalt  }
0x4a: {  	_ =	shalt  }
0x4b: {  	_ =	shalt  }
0x4c: {  	_ =	shalt  }
0x4d: {  	_ =	shalt  }
0x4e: {  	_ =	shalt  }
0x4f: {  	_ =	shalt  }
0x50: {  	_ =	shalt  }
0x51: {  	_ =	shalt  }
0x52: {  	_ =	shalt  }
0x53: {  	_ =	shalt  }
0x54: {  	_ =	shalt  }
0x55: {  	_ =	shalt  }
0x56: {  	_ =	shalt  }
0x57: {  	_ =	shalt  }
0x58: {  	_ =	shalt  }
0x59: {  	_ =	shalt  }
0x5a: {  	_ =	shalt  }
0x5b: {  	_ =	shalt  }
0x5c: {  	_ =	shalt  }
0x5d: {  	_ =	shalt  }
0x5e: {  	_ =	shalt  }
0x5f: {  	_ =	shalt  }
0x60: {  	_ =	shalt  }
0x61: {  	_ =	shalt  }
0x62: {  	_ =	shalt  }
0x63: {  	_ =	shalt  }
0x64: {  	_ =	shalt  }
0x65: {  	_ =	shalt  }
0x66: {  	_ =	shalt  }
0x67: {  	_ =	shalt  }
0x68: {  	_ =	shalt  }
0x69: {  	_ =	shalt  }
0x6a: {  	_ =	shalt  }
0x6b: {  	_ =	shalt  }
0x6c: {  	_ =	shalt  }
0x6d: {  	_ =	shalt  }
0x6e: {  	_ =	shalt  }
0x6f: {  	_ =	shalt  }
0x70: {  	_ =	shalt  }
0x71: {  	_ =	shalt  }
0x72: {  	_ =	shalt  }
0x73: {  	_ =	shalt  }
0x74: {  	_ =	shalt  }
0x75: {  	_ =	shalt  }
0x76: {  	_ =	shalt  }
0x77: {  	_ =	shalt  }
0x78: {  	_ =	shalt  }
0x79: {  	_ =	shalt  }
0x7a: {  	_ =	shalt  }
0x7b: {  	_ =	shalt  }
0x7c: {  	_ =	shalt  }
0x7d: {  	_ =	shalt  }
0x7e: {  	_ =	shalt  }
0x7f: {  	_ =	shalt  }
0x80: {  	_ =	shalt  }
0x81: {  	_ =	shalt  }
0x82: {  	_ =	shalt  }
0x83: {  	_ =	shalt  }
0x84: {  	_ =	shalt  }
0x85: {  	_ =	shalt  }
0x86: {  	_ =	shalt  }
0x87: {  	_ =	shalt  }
.Lfunc_end0:
.L_simem_size_0:
called_computation_lowered:
.L_overlay_start_0:
0x88: {  	s2 =	sld [smem:$0x3FD9]  }
0x89: {  	s3 =	sld [smem:$0x3FFE];
	_ =	sdelay $0x1  }
0x8a: {  	s1 =	srdreg.scid  }
0x8b: {  	s0 =	sand.u32 $0x1, s1  }
0x8c: {  	s17 =	sshll.u32 s0, $0xA;
	s2 =	sadd.s32 s3, s2  }
0x8d: {  	s2 =	sadd.s32 s2, s17  }
0x8e: {  	[smem:$0x3FC3] =	sst s2  }
0x8f: {  	_ = 	snop  }
0x90: {  	s2 =	sld [smem:$0x3FC8];
	(tm) =	ssettm $0x1  }
0x91: {  	s18 =	sld [smem:$0x3FFB];
	_ =	sdelay $0x3  }
0x92: {  	_ =	strace s18  }
0x93: {  	s3 =	sld [smem:$0x3FFC];
	_ =	sdelay $0x3  }
0x94: {  	_ =	strace s3  }
0x95: {  	s3 =	sld [smem:$0x3FFD];
	_ =	sdelay $0x3  }
0x96: {  	_ =	strace s3  }
0x97: {  	_ =	strace $0x8FFFFFFF  }
0x98: {  	s19 =	sld [smem:$0x3FDB];
	_ =	sdelay $0x1  }
0x99: {  	s4 =	simm.s32 $_scs_section_size  }
0x9a: {  	s5 =	simm.s32 $_size__tile_overlayer_lowered;
	s6 =	simm.s32 $_tile_overlayer_lowered  }
0x9b: {  	s22 =	simm.s32 $0x1BFF;
	s21 =	sshll.u32 s6, $0x1;
	s3 =	sadd.s32 s4, s19  }
0x9c: {  	s7 =	simm.s32 $0x0;
	s20 =	sshll.u32 s5, $0x1;
	s5 =	sadd.s32 s21, s3  }
0x9d: {  	[timem:s7], [sflag:s22] =	dma.local [hbm:s5], s20  }
0x9e: {  	_ =	swait.ge [sflag:s22], s20  }
0x9f: {  	s4 =	ssub.s32 $0x0, s20;
	[sflag:s22] =	ssyncset.done $0x0  }
0xa0: {  	[sflag:s22] =	ssyncadd.s32 s4;
	_ =	sdelay $0x1  }
0xa1: {  	s23 =	simm.s32 $0x1B8B  }
0xa2: {  	_ =	swait.ge [sflag:s23], $0x1  }
0xa3: {  	[sflag:s23] =	ssyncset.done $0x0  }
0xa4: {  	s25 =	simm.s32 $0x1B8E;
	s24 =	sld [smem:$0x3FFE];
	[sflag:s23] =	ssyncadd.s32 $0xFFFFFFFF  }
0xa5: {  	s26 =	simm.s32 $execute0_lowered;
	[smem:$0x3FD2] =	sst s25  }
0xa6: {  	s5 =	sshll.u32 s26, $0x1;
	_ =	strace $0x80000046;
	[dreg:$0x1] =	wrdreg $0xFFFFFFFF  }
0xa7: {  	s28 =	simm.s32 $_size_execute0_lowered;
	s3 =	sadd.s32 s3, s5;
	[dreg:$0x0] =	wrdreg $0x0  }
0xa8: {  	s5 =	sshll.u32 s28, $0x1;
	[dreg:$0x2] =	wrdreg s3  }
0xa9: {  	[dreg:$0x3] =	wrdreg s5  }
0xaa: {  	[dreg:$0x4] =	wrdreg $0xC0  }
0xab: {  	_ =	task [dreg:s7], $0x5FFFF  }
0xac: {  	[dreg:$0x1] =	wrdreg $0xFFFFFFFF  }
0xad: {  	[dreg:$0x0] =	wrdreg $0x60  }
0xae: {  	[dreg:$0x2] =	wrdreg s2  }
0xaf: {  	[dreg:$0x3] =	wrdreg s24  }
0xb0: {  	[dreg:$0x4] =	wrdreg $0x9  }
0xb1: {  	_ =	task.clear_ibuf [dreg:s7], $0x5FFFF;
	_ =	strace $0x90000046  }
0xb2: {  	s29 =	simm.s32 $0x9;
	_ =	strace $0x80000048  }
0xb3: {  	_ =	swait.ge [sflag:s29], $0x1  }
0xb4: {  	[sflag:s29] =	ssyncadd.s32 $0xFFFFFFFF  }
0xb5: {  	_ =	strace $0x90000048  }
0xb6: {  	_ =	sfence  }
0xb7: {  	s30 =	sld [smem:$0x0];
	_ =	sdelay $0x2  }
0xb8: {  	s31 =	sshll.u32 s1, $0xD;
	s1 =	sshrl.u32 s1, $0x2  }
0xb9: {  	s3 =	sand.u32 $0x4000, s31;
	s1 =	sadd.s32 s1, s30  }
0xba: {  	s0 =	sor.u32 s3, s0;
	s1 =	sshll.u32 s1, $0x11  }
0xbb: {  	s0 =	sor.u32 s1, s0  }
0xbc: {  	s0 =	sadd.s32 $0x8F2B, s0  }
0xbd: {  	[sflag:s0] =	ssyncadd.remote.s32 $0x1  }
0xbe: {  	_ =	sfence.sel $0xFFFF  }
0xbf: {  	[dreg:$0x0] =	wrdreg $0xFFFFFFFF;
	(pc) =	sbr.abs _section_cstart, $3  }
0xc0: {  	[dreg:$0x1] =	wrdreg $0xFFFFFFFF  }
0xc1: {  	_ =	task.clear_ibuf [dreg:s7], $0x2FFFF;
	_ =	strace $0x9FFFFFFF  }
0xc2: {  	(tm) =	ssettm $0x7FFFFFFF  }
0xc3: {  	_ =	shalt  }
tec
execute0_lowered:
.L_overlay_start_1:
0x0: {  	(tag) =	ssettag $0x1  }
0x1: {  	s0 =	stileid.u32;
	s1 =	srdreg.scid  }
0x2: {  	s6 =	rddreg [dreg:$0x0];
	s4 =	sand.u32 $0x1, s1;
	s30 =	sshll.u32 s0, $0x1  }
0x3: {  	s5 =	rddreg [dreg:$0x1];
	s7 =	simm.s32 $0x0;
	s3 =	sor.u32 s4, s30  }
0x4: {  	[smem:$0x7FF] =	sst s7;
	s1 =	sand.u32 $0xF, s3  }
0x5: {  	s2 =	simm.s32 $0x1;
	v3 =	vmov s1;
	s1 =	rddreg [dreg:$0x2];
	_ =	strace $0x80000047  }
0x6: {  	[tilespmem:s7], [sflag:$0x1] =	stream.linear.gather [hbm4b:s6+s7], $0x80, $0x38;
	[tilespmem:$0x480] =	vst v63  }
0x7: {  	_ =	swait.ge [sflag:s2], $0x80  }
0x8: {  	v1 =	vlaneseq.u32;
	s8 =	simm.s32 $0x0;
	p0 =	slt.u32 s0, $0x8;
	[sflag:s2] =	ssyncset.done $0x0  }
0x9: {  	v16 =	vor.u32 $0x2A0, v1;
	s8 =	simm.s32 @!p0 $0x10;
	[sflag:s2] =	ssyncadd.s32 $0xFFFFFF80  }
0xa: {  	v2 =	vld [tilespmem:s8+$0x0];
	[tilespmem:$0x1FE60] =	vst v16  }
0xb: {  	v4 =	vor.u32 $0x10, v1;
	[tilespmem:$0x1FE80] =	vst v3  }
0xc: {  	v6 =	vor.u32 $0x30, v1;
	[tilespmem:$0x1FE90] =	vst v4  }
0xd: {  	v0 =	vimm.s32 $0x0;
	v52 =	vor.u32 $0x80, v1;
	[tilespmem:$0x1FEB0] =	vst v6  }
0xe: {  	v5 =	vor.u32 $0x20, v1;
	v45 =	vor.u32 $0x40, v1;
	v49 =	vor.u32 $0x50, v1;
	[tilespmem:$0x1FEC0] =	vst v52  }
0xf: {  	v50 =	vor.u32 $0x60, v1;
	v56 =	vor.u32 $0x70, v1;
	v41 =	vor.u32 $0x90, v1;
	[tilespmem:$0x1FED0] =	vst v5  }
0x10: {  	v8 =	vor.u32 $0xA0, v1;
	v7 =	vor.u32 $0xB0, v1;
	v46 =	vor.u32 $0x150, v1;
	[tilespmem:$0x1FEE0] =	vst v45  }
0x11: {  	v35 =	vor.u32 $0xC0, v1;
	v9 =	vor.u32 $0xD0, v1;
	v25 =	vor.u32 $0xE0, v1;
	[tilespmem:$0x1FEF0] =	vst v46  }
0x12: {  	v40 =	vor.u32 $0xF0, v1;
	v11 =	vor.u32 $0x100, v1;
	v63 =	vor.u32 $0x110, v1;
	[tilespmem:$0x1FF00] =	vst v49  }
0x13: {  	v10 =	vor.u32 $0x120, v1;
	v59 =	vor.u32 $0x130, v1;
	v30 =	vor.u32 $0x140, v1;
	[tilespmem:$0x1FF10] =	vst v35  }
0x14: {  	v15 =	vor.u32 $0x160, v1;
	v37 =	vor.u32 $0x170, v1;
	v28 =	vor.u32 $0x180, v1;
	[tilespmem:$0x1FF20] =	vst v50  }
0x15: {  	v13 =	vor.u32 $0x190, v1;
	v43 =	vor.u32 $0x1A0, v1;
	v12 =	vor.u32 $0x1B0, v1;
	[tilespmem:$0x1FF30] =	vst v56  }
0x16: {  	v14 =	vor.u32 $0x1C0, v1;
	v47 =	vor.u32 $0x1D0, v1;
	v48 =	vor.u32 $0x1E0, v1;
	[tilespmem:$0x1FF70] =	vst v10  }
0x17: {  	v33 =	vor.u32 $0x1F0, v1;
	v54 =	vor.u32 $0x200, v1;
	v60 =	vor.u32 $0x210, v1;
	[tilespmem:$0x1FF80] =	vst v7  }
0x18: {  	v53 =	vor.u32 $0x220, v1;
	v55 =	vor.u32 $0x230, v1;
	v23 =	vor.u32 $0x240, v1;
	[tilespmem:$0x1FF90] =	vst v11  }
0x19: {  	v17 =	vor.u32 $0x250, v1;
	v29 =	vor.u32 $0x260, v1;
	v21 =	vor.u32 $0x270, v1;
	[tilespmem:$0x1FFA0] =	vst v8  }
0x1a: {  	v19 =	vor.u32 $0x280, v1;
	v42 =	vor.u32 $0x290, v1;
	v61 =	vor.u32 $0x2B0, v1;
	[tilespmem:$0x1FFB0] =	vst v9  }
0x1b: {  	v44 =	vor.u32 $0x2C0, v1;
	v18 =	vor.u32 $0x2D0, v1;
	v20 =	vor.u32 $0x2E0, v1;
	[tilespmem:$0x1FFC0] =	vst v43  }
0x1c: {  	v27 =	vor.u32 $0x2F0, v1;
	v38 =	vor.u32 $0x310, v1;
	v32 =	vor.u32 $0x320, v1;
	[tilespmem:$0x1FFD0] =	vst v15  }
0x1d: {  	v51 =	vor.u32 $0x330, v1;
	v39 =	vor.u32 $0x340, v1;
	v22 =	vor.u32 $0x350, v1;
	[tilespmem:$0x1FFE0] =	vst v48  }
0x1e: {  	v26 =	vor.u32 $0x360, v1;
	s4 =	ssub.s32 $0x2, s4;
	v16 =	vor.u32 $0x300, v1;
	[tilespmem:$0x1FFF0] =	vst v12;
	v24 =	vperm.xlane v2, v3  }
0x1f: {  	v31 =	vor.u32 $0x370, v1;
	v62 =	vor.u32 $0x390, v1;
	s10 =	sshrl.u32 s4, $0x1;
	[tilespmem:$0x1FE70] =	vst v16;
	v2 =	vor.u32 $0x3F0, v1  }
0x20: {  	s4 =	ssub.s32 s4, s10;
	[tilespmem:$0x1FEA0] =	vst v2;
	vm0 =	veq.s32 v24, v1;
	vm3 =	veq.s32 v24, v2;
	v2 =	vor.u32 $0x3A0, v1  }
0x21: {  	v57 =	vor.u32 $0x3B0, v1;
	s31 =	smax.u32 s4, $0x1;
	vm1 =	veq.s32 v24, v4;
	v4 =	vsel vm0, $0x1, v0;
	[tilespmem:$0x1FF40] =	vst v2  }
0x22: {  	p0 =	sne.s32 s31, $0x1;
	vm2 =	veq.s32 v24, v6;
	vm4 =	veq.s32 v24, v45;
	v34 =	vsel vm1, $0x1, v0;
	[tilespmem:$0x80] =	vst v4  }
.Ltmp0:
0x23: {  	s9 =	sshll.u32 s0, $0x8;
	vm5 =	veq.s32 v24, v56;
	v36 =	vsel vm2, $0x1, v0;
	vm2 =	veq.s32 v24, v52;
	[tilespmem:$0x90] =	vst v34;
	(pc) =	sbr.rel @!p0 .LBB2_1-.Ltmp0, $4  }
0x24: {  	s9 =	sand.u32 $0xC00, s9;
	s3 =	sshll.u32 s3, $0x4;
	v3 =	vsel vm3, $0x1, v0;
	vm1 =	veq.s32 v24, v5;
	v2 =	vor.u32 $0x3C0, v1;
	[tilespmem:$0xB0] =	vst v36  }
0x25: {  	s5 =	sadd.s32 s9, s5;
	s3 =	sand.u32 $0x70, s3;
	vm0 =	veq.s32 v24, v46;
	vm3 =	veq.s32 v24, v35;
	v46 =	vsel vm1, $0x1, v0;
	[tilespmem:$0x1FF60] =	vst v2  }
0x26: {  	s3 =	sadd.s32 s3, s5;
	s4 =	simm.s32 $0x400;
	v34 =	vor.u32 $0x380, v1;
	v36 =	vor.u32 $0x3D0, v1;
	v1 =	vor.u32 $0x3E0, v1;
	[tilespmem:$0xA0] =	vst v46  }
0x27: {  	s5 =	simm.s32 $0x80;
	s3 =	sadd.s32 $0x1000, s3;
	s9 =	sadd.s32 $0xFFFFFFFF, s31;
	vm1 =	veq.s32 v24, v49;
	v4 =	vsel vm4, $0x1, v0;
	vm4 =	veq.s32 v24, v50;
	[tilespmem:$0x1FF50] =	vst v1  }
.LBB2_2:
0x28: {  	[tilespmem:$0xC0] =	vst v4  }
0x29: {  	v5 =	vsel vm2, $0x1, v0;
	[tilespmem:$0x470] =	vst v3  }
0x2a: {  	v4 =	vsel vm5, $0x1, v0;
	vm5 =	veq.s32 v24, v7;
	v7 =	vsel vm3, $0x1, v0;
	[tilespmem:$0x100] =	vst v5  }
0x2b: {  	vm2 =	veq.s32 v24, v41;
	[tilespmem:$0x140] =	vst v7  }
0x2c: {  	v6 =	vsel vm2, $0x1, v0;
	[tilespmem:$0xF0] =	vst v4  }
0x2d: {  	vm2 =	veq.s32 v24, v8;
	v8 =	vsel vm4, $0x1, v0;
	[tilespmem:$0x110] =	vst v6  }
0x2e: {  	v5 =	vsel vm5, $0x1, v0;
	vm5 =	veq.s32 v24, v11;
	v11 =	vsel vm1, $0x1, v0;
	[tilespmem:$0xE0] =	vst v8  }
0x2f: {  	vm14 =	veq.s32 v24, v18;
	[tilespmem:$0xD0] =	vst v11  }
0x30: {  	vm6 =	veq.s32 v24, v63;
	v46 =	vsel vm14, $0x1, v0;
	[tilespmem:$0x130] =	vst v5  }
0x31: {  	vm4 =	veq.s32 v24, v40;
	v6 =	vsel vm6, $0x1, v0;
	[tilespmem:$0x350] =	vst v46  }
0x32: {  	v7 =	vsel vm4, $0x1, v0;
	[tilespmem:$0x190] =	vst v6  }
0x33: {  	vm3 =	veq.s32 v24, v25;
	v3 =	vsel vm2, $0x1, v0;
	[tilespmem:$0x170] =	vst v7  }
0x34: {  	vm2 =	veq.s32 v24, v9;
	v9 =	vsel vm3, $0x1, v0;
	[tilespmem:$0x120] =	vst v3  }
0x35: {  	vm7 =	veq.s32 v24, v59;
	vm6 =	veq.s32 v24, v10;
	v10 =	vsel vm5, $0x1, v0;
	[tilespmem:$0x160] =	vst v9  }
0x36: {  	vm10 =	veq.s32 v24, v33;
	v8 =	vsel vm7, $0x1, v0;
	[tilespmem:$0x180] =	vst v10  }
0x37: {  	vm9 =	veq.s32 v24, v48;
	v5 =	vsel vm10, $0x1, v0;
	[tilespmem:$0x1B0] =	vst v8  }
0x38: {  	vm11 =	veq.s32 v24, v54;
	v56 =	vmovc v13;
	vm5 =	veq.s32 v24, v13;
	v13 =	vsel vm9, $0x1, v0;
	[tilespmem:$0x270] =	vst v5  }
0x39: {  	v11 =	vsel vm11, $0x1, v0;
	[tilespmem:$0x260] =	vst v13  }
0x3a: {  	vm12 =	veq.s32 v24, v60;
	v7 =	vsel vm0, $0x1, v0;
	[tilespmem:$0x280] =	vst v11  }
0x3b: {  	v3 =	vsel vm12, $0x1, v0;
	[tilespmem:$0x1D0] =	vst v7  }
0x3c: {  	v4 =	vsel vm2, $0x1, v0;
	[tilespmem:$0x290] =	vst v3  }
0x3d: {  	vm8 =	veq.s32 v24, v47;
	v6 =	vsel vm6, $0x1, v0;
	[tilespmem:$0x150] =	vst v4  }
0x3e: {  	vm3 =	veq.s32 v24, v37;
	v10 =	vsel vm8, $0x1, v0;
	[tilespmem:$0x1A0] =	vst v6  }
0x3f: {  	vm2 =	veq.s32 v24, v15;
	v15 =	vsel vm3, $0x1, v0;
	[tilespmem:$0x250] =	vst v10  }
0x40: {  	vm7 =	veq.s32 v24, v14;
	v8 =	vsel vm5, $0x1, v0;
	[tilespmem:$0x1F0] =	vst v15  }
0x41: {  	vm4 =	veq.s32 v24, v12;
	v9 =	vsel vm7, $0x1, v0;
	[tilespmem:$0x210] =	vst v8  }
0x42: {  	v58 =	vmov v54;
	vm6 =	veq.s32 v24, v43;
	v54 =	vsel vm4, $0x1, v0;
	[tilespmem:$0x240] =	vst v9  }
0x43: {  	vm1 =	veq.s32 v24, v30;
	v12 =	vsel vm6, $0x1, v0;
	[tilespmem:$0x230] =	vst v54  }
0x44: {  	vm7 =	veq.s32 v24, v61;
	v4 =	vsel vm1, $0x1, v0;
	[tilespmem:$0x220] =	vst v12  }
0x45: {  	vm13 =	veq.s32 v24, v55;
	vm0 =	veq.s32 v24, v28;
	v6 =	vsel vm7, $0x1, v0;
	[tilespmem:$0x1C0] =	vst v4  }
0x46: {  	vm15 =	veq.s32 v24, v27;
	vm12 =	veq.s32 v24, v53;
	v5 =	vsel vm0, $0x1, v0;
	[tilespmem:$0x330] =	vst v6  }
0x47: {  	v52 =	vmovc v53;
	v43 =	vmovc v14;
	vm5 =	veq.s32 v24, v42;
	v53 =	vmov v37;
	v7 =	vsel vm13, $0x1, v0;
	[tilespmem:$0x200] =	vst v5  }
0x48: {  	v37 =	vmovc v27;
	v27 =	vmovc v17;
	v14 =	vsel vm2, $0x1, v0;
	vm2 =	veq.s32 v24, v17;
	v17 =	vsel vm5, $0x1, v0;
	[tilespmem:$0x2B0] =	vst v7  }
0x49: {  	[tilespmem:$0x310] =	vst v17  }
0x4a: {  	vm4 =	veq.s32 v24, v19;
	v3 =	vsel vm12, $0x1, v0;
	[tilespmem:$0x1E0] =	vst v14  }
0x4b: {  	v1 =	vld [tilespmem:$0x1FE60];
	vm13 =	veq.s32 v24, v44;
	v15 =	vsel vm4, $0x1, v0;
	[tilespmem:$0x2A0] =	vst v3  }
0x4c: {  	vm4 =	veq.s32 v24, v39;
	v4 =	vsel vm13, $0x1, v0;
	[tilespmem:$0x300] =	vst v15  }
0x4d: {  	vm0 =	veq.s32 v24, v23;
	v7 =	vsel vm4, $0x1, v0;
	[tilespmem:$0x340] =	vst v4  }
0x4e: {  	v13 =	vsel vm0, $0x1, v0;
	[tilespmem:$0x3C0] =	vst v7  }
0x4f: {  	vm1 =	veq.s32 v24, v21;
	v12 =	vsel vm15, $0x1, v0;
	[tilespmem:$0x2C0] =	vst v13  }
0x50: {  	vm7 =	veq.s32 v24, v20;
	vm6 =	veq.s32 v24, v1;
	v49 =	vsel vm1, $0x1, v0;
	v1 =	vld [tilespmem:$0x1FE70];
	[tilespmem:$0x370] =	vst v12  }
0x51: {  	vm5 =	veq.s32 v24, v22;
	v10 =	vsel vm7, $0x1, v0;
	[tilespmem:$0x2F0] =	vst v49  }
0x52: {  	v5 =	vsel vm5, $0x1, v0;
	[tilespmem:$0x360] =	vst v10  }
0x53: {  	v16 =	vsel vm2, $0x1, v0;
	vm7 =	veq.s32 v24, v34;
	[tilespmem:$0x3D0] =	vst v5  }
0x54: {  	v45 =	vmov v61;
	vm3 =	veq.s32 v24, v29;
	v17 =	vsel vm7, $0x1, v0;
	[tilespmem:$0x2D0] =	vst v16  }
0x55: {  	v61 =	vmovc v51;
	vm2 =	veq.s32 v24, v32;
	v48 =	vsel vm6, $0x1, v0;
	[tilespmem:$0x400] =	vst v17;
	vm0 =	veq.s32 v24, v1;
	v1 =	vld [tilespmem:$0x1FF40]  }
0x56: {  	vm6 =	veq.s32 v24, v26;
	v6 =	vmovc v47;
	v47 =	vmovc v28;
	v28 =	vmov v18;
	v18 =	vsel vm3, $0x1, v0;
	[tilespmem:$0x320] =	vst v48  }
0x57: {  	vm3 =	veq.s32 v24, v51;
	v51 =	vmovc v39;
	v39 =	vmovc v32;
	v32 =	vmov v22;
	v22 =	vsel vm6, $0x1, v0;
	[tilespmem:$0x2E0] =	vst v18  }
0x58: {  	v50 =	vmovc v59;
	v59 =	vmov v44;
	vm1 =	veq.s32 v24, v38;
	v4 =	vsel vm3, $0x1, v0;
	[tilespmem:$0x3E0] =	vst v22  }
0x59: {  	v44 =	vmovc v38;
	v38 =	vmovc v31;
	vm3 =	veq.s32 v24, v31;
	v31 =	vmov v21;
	v21 =	vsel vm1, $0x1, v0;
	[tilespmem:$0x3B0] =	vst v4  }
0x5a: {  	v11 =	vsel vm3, $0x1, v0;
	[tilespmem:$0x390] =	vst v21;
	vm1 =	veq.s32 v24, v1  }
0x5b: {  	v8 =	vld [tilespmem:$0x1FFA0];
	vm3 =	veq.s32 v24, v2;
	[tilespmem:$0x3F0] =	vst v11;
	v3 =	vsel vm1, $0x1, v0  }
0x5c: {  	v14 =	vsel vm3, $0x1, v0;
	[tilespmem:$0x420] =	vst v3;
	v3 =	vld [tilespmem:$0x1FF50]  }
0x5d: {  	v9 =	vld [tilespmem:$0x1FFB0];
	v18 =	vsel vm0, $0x1, v0;
	[tilespmem:$0x440] =	vst v14  }
0x5e: {  	v15 =	vld [tilespmem:$0x1FFD0];
	v4 =	vmovc v60;
	v60 =	vmovc v34;
	v34 =	vmov v23;
	v23 =	vsel vm2, $0x1, v0;
	vm0 =	veq.s32 v24, v62;
	[tilespmem:$0x380] =	vst v18  }
0x5f: {  	v12 =	vld [tilespmem:$0x1FFF0];
	vm2 =	veq.s32 v24, v57;
	v7 =	vsel vm0, $0x1, v0;
	[tilespmem:$0x3A0] =	vst v23  }
0x60: {  	v35 =	vmov v25;
	v10 =	vld [tilespmem:$0x1FF70];
	v25 =	vsel vm2, $0x1, v0;
	[tilespmem:$0x410] =	vst v7;
	vm1 =	veq.s32 v24, v36  }
0x61: {  	v48 =	vld [tilespmem:$0x1FFE0];
	v2 =	vmov v26;
	[tilespmem:$0x430] =	vst v25;
	v26 =	vsel vm1, $0x1, v0;
	vm0 =	veq.s32 v24, v3  }
0x62: {  	v11 =	vld [tilespmem:$0x1FF90];
	[tilespmem:$0x450] =	vst v26;
	v3 =	vsel vm0, $0x1, v0  }
0x63: {  	v7 =	vld [tilespmem:$0x1FF80];
	[tilespmem:$0x460] =	vst v3  }
0x64: {  	v14 =	vmov v43;
	v43 =	vld [tilespmem:$0x1FFC0];
	[hbm4b:s3+s5] =	stream.strided.scatter [tilespmem:s5], [sflag:$0x1], $0x400, s4, s5, $0x38  }
0x65: {  	v26 =	vmov v2;
	v2 =	vld [tilespmem:$0x1FF60];
	_ =	swait.ge [sflag:s2], $0x400  }
0x66: {  	[sflag:s2] =	ssyncset.done $0x0  }
0x67: {  	[sflag:s2] =	ssyncadd.s32 $0xFFFFFC00  }
0x68: {  	[tilespmem:s7], [sflag:$0x1] =	stream.linear.gather [hbm4b:s6+s7], $0x80, $0x38;
	[tilespmem:$0x480] =	vst v63  }
0x69: {  	_ =	swait.ge [sflag:s2], $0x80  }
0x6a: {  	[sflag:s2] =	ssyncset.done $0x0  }
0x6b: {  	v1 =	vld [tilespmem:$0x1FE80];
	[sflag:s2] =	ssyncadd.s32 $0xFFFFFF80  }
0x6c: {  	v3 =	vld [tilespmem:s8+$0x0];
	_ =	sdelay $0x4  }
0x6d: {  	v24 =	vperm.xlane v3, v1  }
0x6e: {  	v1 =	vlaneseq.u32  }
0x6f: {  	vm0 =	veq.s32 v24, v1;
	v1 =	vld [tilespmem:$0x1FE90];
	_ =	sdelay $0x4  }
0x70: {  	vm1 =	veq.s32 v24, v1;
	v1 =	vld [tilespmem:$0x1FEA0];
	_ =	sdelay $0x4  }
0x71: {  	vm3 =	veq.s32 v24, v1;
	v1 =	vld [tilespmem:$0x1FEB0];
	_ =	sdelay $0x4  }
0x72: {  	v3 =	vsel vm0, $0x1, v0;
	vm0 =	veq.s32 v24, v1;
	v1 =	vld [tilespmem:$0x1FEC0];
	_ =	sdelay $0x4  }
0x73: {  	vm2 =	veq.s32 v24, v1;
	v1 =	vld [tilespmem:$0x1FED0];
	_ =	sdelay $0x4  }
0x74: {  	v23 =	vmovc v34;
	v34 =	vmovc v60;
	v60 =	vmov v4;
	v4 =	vsel vm1, $0x1, v0;
	vm1 =	veq.s32 v24, v1;
	v1 =	vld [tilespmem:$0x1FEE0];
	_ =	sdelay $0x4  }
0x75: {  	vm4 =	veq.s32 v24, v1;
	v1 =	vld [tilespmem:$0x1FEF0];
	_ =	sdelay $0x4  }
0x76: {  	v5 =	vsel vm0, $0x1, v0;
	vm0 =	veq.s32 v24, v1;
	v1 =	vld [tilespmem:$0x1FF00];
	_ =	sdelay $0x4  }
0x77: {  	[tilespmem:$0x90] =	vst v4;
	v4 =	vsel vm1, $0x1, v0;
	vm1 =	veq.s32 v24, v1;
	v1 =	vld [tilespmem:$0x1FF10];
	_ =	sdelay $0x4  }
0x78: {  	[tilespmem:$0x80] =	vst v3;
	v3 =	vsel vm3, $0x1, v0;
	vm3 =	veq.s32 v24, v1;
	v1 =	vld [tilespmem:$0x1FF20];
	_ =	sdelay $0x4  }
0x79: {  	p0 =	sne.s32 s9, $0x1;
	[tilespmem:$0xA0] =	vst v4;
	v4 =	vsel vm4, $0x1, v0;
	vm4 =	veq.s32 v24, v1;
	v1 =	vld [tilespmem:$0x1FF30]  }
.Ltmp1:
0x7a: {  	v54 =	vmov v58;
	(pc) =	sbr.rel @p0 .LBB2_2-.Ltmp1, $4  }
0x7b: {  	v13 =	vmovc v56;
	v17 =	vmovc v27;
	v27 =	vmov v37;
	v37 =	vmov v53;
	v53 =	vmov v52  }
0x7c: {  	v22 =	vmovc v32;
	v32 =	vmovc v39;
	v39 =	vmov v51;
	v51 =	vmov v61;
	v61 =	vmov v45  }
0x7d: {  	v21 =	vmovc v31;
	v31 =	vmovc v38;
	v38 =	vmov v44;
	v44 =	vmov v59;
	v59 =	vmov v50  }
0x7e: {  	s9 =	sadd.s32 $0xFFFFFFFF, s9;
	v18 =	vmovc v28;
	v28 =	vmovc v47;
	v47 =	vmov v6;
	v25 =	vmov v35;
	[tilespmem:$0xB0] =	vst v5;
	vm5 =	veq.s32 v24, v1  }
0x7f: {  	v6 =	vld [tilespmem:$0x1FF40]  }
0x80: {  	v5 =	vld [tilespmem:$0x1FF50]  }
.LBB2_4:
0x81: {  	[tilespmem:$0xC0] =	vst v4  }
0x82: {  	v1 =	vsel vm2, $0x1, v0;
	[tilespmem:$0x470] =	vst v3  }
0x83: {  	v52 =	vsel vm3, $0x1, v0;
	[tilespmem:$0x100] =	vst v1  }
0x84: {  	v56 =	vsel vm4, $0x1, v0;
	[tilespmem:$0x140] =	vst v52  }
0x85: {  	vm13 =	veq.s32 v24, v63;
	v63 =	vsel vm5, $0x1, v0;
	[tilespmem:$0xE0] =	vst v56  }
0x86: {  	v16 =	vsel vm0, $0x1, v0;
	[tilespmem:$0xF0] =	vst v63  }
0x87: {  	vm12 =	veq.s32 v24, v41;
	v35 =	vsel vm1, $0x1, v0;
	[tilespmem:$0x1D0] =	vst v16  }
0x88: {  	v2 =	vsel vm12, $0x1, v0;
	[tilespmem:$0xD0] =	vst v35  }
0x89: {  	vm14 =	veq.s32 v24, v40;
	v58 =	vsel vm13, $0x1, v0;
	[tilespmem:$0x110] =	vst v2  }
0x8a: {  	vm15 =	veq.s32 v24, v8;
	v4 =	vsel vm14, $0x1, v0;
	[tilespmem:$0x190] =	vst v58  }
0x8b: {  	vm4 =	veq.s32 v24, v7;
	v8 =	vsel vm15, $0x1, v0;
	[tilespmem:$0x170] =	vst v4  }
0x8c: {  	vm5 =	veq.s32 v24, v25;
	v40 =	vsel vm4, $0x1, v0;
	[tilespmem:$0x120] =	vst v8  }
0x8d: {  	vm6 =	veq.s32 v24, v60;
	v41 =	vsel vm5, $0x1, v0;
	[tilespmem:$0x130] =	vst v40  }
0x8e: {  	vm7 =	veq.s32 v24, v11;
	v45 =	vsel vm6, $0x1, v0;
	[tilespmem:$0x160] =	vst v41  }
0x8f: {  	vm8 =	veq.s32 v24, v59;
	v46 =	vsel vm7, $0x1, v0;
	[tilespmem:$0x290] =	vst v45  }
0x90: {  	vm9 =	veq.s32 v24, v33;
	v49 =	vsel vm8, $0x1, v0;
	[tilespmem:$0x180] =	vst v46  }
0x91: {  	vm10 =	veq.s32 v24, v9;
	v50 =	vsel vm9, $0x1, v0;
	[tilespmem:$0x1B0] =	vst v49  }
0x92: {  	vm11 =	veq.s32 v24, v10;
	v52 =	vsel vm10, $0x1, v0;
	[tilespmem:$0x270] =	vst v50  }
0x93: {  	v56 =	vsel vm11, $0x1, v0;
	vm12 =	veq.s32 v24, v47;
	[tilespmem:$0x150] =	vst v52  }
0x94: {  	vm13 =	veq.s32 v24, v43;
	v58 =	vsel vm12, $0x1, v0;
	[tilespmem:$0x1A0] =	vst v56  }
0x95: {  	vm14 =	veq.s32 v24, v37;
	v59 =	vsel vm13, $0x1, v0;
	[tilespmem:$0x250] =	vst v58  }
0x96: {  	vm15 =	veq.s32 v24, v30;
	v60 =	vsel vm14, $0x1, v0;
	[tilespmem:$0x220] =	vst v59  }
0x97: {  	vm4 =	veq.s32 v24, v61;
	v63 =	vsel vm15, $0x1, v0;
	[tilespmem:$0x1F0] =	vst v60  }
0x98: {  	vm5 =	veq.s32 v24, v28;
	v4 =	vsel vm4, $0x1, v0;
	[tilespmem:$0x1C0] =	vst v63  }
0x99: {  	vm6 =	veq.s32 v24, v48;
	v7 =	vsel vm5, $0x1, v0;
	[tilespmem:$0x330] =	vst v4  }
0x9a: {  	vm7 =	veq.s32 v24, v54;
	v8 =	vsel vm6, $0x1, v0;
	[tilespmem:$0x200] =	vst v7  }
0x9b: {  	vm8 =	veq.s32 v24, v55;
	v9 =	vsel vm7, $0x1, v0;
	[tilespmem:$0x260] =	vst v8  }
0x9c: {  	vm9 =	veq.s32 v24, v44;
	v10 =	vsel vm8, $0x1, v0;
	[tilespmem:$0x280] =	vst v9  }
0x9d: {  	vm10 =	veq.s32 v24, v42;
	v11 =	vsel vm9, $0x1, v0;
	[tilespmem:$0x2B0] =	vst v10  }
0x9e: {  	vm11 =	veq.s32 v24, v51;
	v16 =	vsel vm10, $0x1, v0;
	[tilespmem:$0x340] =	vst v11  }
0x9f: {  	vm12 =	veq.s32 v24, v29;
	v25 =	vsel vm11, $0x1, v0;
	[tilespmem:$0x310] =	vst v16  }
0xa0: {  	vm13 =	veq.s32 v24, v15;
	v28 =	vsel vm12, $0x1, v0;
	[tilespmem:$0x3B0] =	vst v25  }
0xa1: {  	vm14 =	veq.s32 v24, v53;
	v29 =	vsel vm13, $0x1, v0;
	[tilespmem:$0x2E0] =	vst v28  }
0xa2: {  	vm15 =	veq.s32 v24, v39;
	v30 =	vsel vm14, $0x1, v0;
	[tilespmem:$0x1E0] =	vst v29  }
0xa3: {  	vm5 =	veq.s32 v24, v13;
	v33 =	vsel vm15, $0x1, v0;
	[tilespmem:$0x2A0] =	vst v30  }
0xa4: {  	vm6 =	veq.s32 v24, v14;
	v37 =	vsel vm5, $0x1, v0;
	[tilespmem:$0x3C0] =	vst v33  }
0xa5: {  	vm9 =	veq.s32 v24, v62;
	v39 =	vsel vm6, $0x1, v0;
	[tilespmem:$0x210] =	vst v37  }
0xa6: {  	vm10 =	veq.s32 v24, v38;
	v43 =	vsel vm9, $0x1, v0;
	[tilespmem:$0x240] =	vst v39  }
0xa7: {  	vm11 =	veq.s32 v24, v57;
	v44 =	vsel vm10, $0x1, v0;
	[tilespmem:$0x410] =	vst v43  }
0xa8: {  	vm4 =	veq.s32 v24, v6;
	v45 =	vsel vm11, $0x1, v0;
	[tilespmem:$0x390] =	vst v44  }
0xa9: {  	vm12 =	veq.s32 v24, v34;
	v35 =	vsel vm4, $0x1, v0;
	[tilespmem:$0x430] =	vst v45  }
0xaa: {  	vm13 =	veq.s32 v24, v12;
	v46 =	vsel vm12, $0x1, v0;
	[tilespmem:$0x420] =	vst v35  }
0xab: {  	vm15 =	veq.s32 v24, v36;
	v47 =	vsel vm13, $0x1, v0;
	[tilespmem:$0x400] =	vst v46  }
0xac: {  	vm5 =	veq.s32 v24, v32;
	v50 =	vsel vm15, $0x1, v0;
	[tilespmem:$0x230] =	vst v47  }
0xad: {  	vm9 =	veq.s32 v24, v21;
	v53 =	vsel vm5, $0x1, v0;
	[tilespmem:$0x450] =	vst v50  }
0xae: {  	vm10 =	veq.s32 v24, v26;
	v57 =	vsel vm9, $0x1, v0;
	[tilespmem:$0x3A0] =	vst v53  }
0xaf: {  	vm11 =	veq.s32 v24, v19;
	v58 =	vsel vm10, $0x1, v0;
	[tilespmem:$0x2F0] =	vst v57  }
0xb0: {  	vm7 =	veq.s32 v24, v5;
	v59 =	vsel vm11, $0x1, v0;
	[tilespmem:$0x3E0] =	vst v58  }
0xb1: {  	v48 =	vld [tilespmem:$0x1FE70];
	vm4 =	veq.s32 v24, v23;
	v41 =	vsel vm7, $0x1, v0;
	[tilespmem:$0x300] =	vst v59  }
0xb2: {  	v40 =	vld [tilespmem:$0x1FF60];
	vm12 =	veq.s32 v24, v20;
	v51 =	vsel vm4, $0x1, v0;
	[tilespmem:$0x460] =	vst v41  }
0xb3: {  	v52 =	vld [tilespmem:$0x1FE60];
	vm13 =	veq.s32 v24, v22;
	v60 =	vsel vm12, $0x1, v0;
	[tilespmem:$0x2C0] =	vst v51  }
0xb4: {  	vm15 =	veq.s32 v24, v17;
	v61 =	vsel vm13, $0x1, v0;
	[tilespmem:$0x360] =	vst v60  }
0xb5: {  	vm7 =	veq.s32 v24, v27;
	v63 =	vsel vm15, $0x1, v0;
	[tilespmem:$0x3D0] =	vst v61  }
0xb6: {  	vm14 =	veq.s32 v24, v48;
	v55 =	vsel vm7, $0x1, v0;
	[tilespmem:$0x2D0] =	vst v63  }
0xb7: {  	vm8 =	veq.s32 v24, v40;
	v49 =	vsel vm14, $0x1, v0;
	[tilespmem:$0x370] =	vst v55  }
0xb8: {  	vm6 =	veq.s32 v24, v52;
	v42 =	vsel vm8, $0x1, v0;
	[tilespmem:$0x380] =	vst v49  }
0xb9: {  	vm14 =	veq.s32 v24, v18;
	v54 =	vsel vm6, $0x1, v0;
	[tilespmem:$0x440] =	vst v42  }
0xba: {  	vm8 =	veq.s32 v24, v31;
	v62 =	vsel vm14, $0x1, v0;
	[tilespmem:$0x320] =	vst v54  }
0xbb: {  	v56 =	vsel vm8, $0x1, v0;
	[tilespmem:$0x350] =	vst v62  }
0xbc: {  	[tilespmem:$0x3F0] =	vst v56  }
0xbd: {  	[hbm4b:s3+s5] =	stream.strided.scatter [tilespmem:s5], [sflag:$0x1], $0x400, s4, s5, $0x38;
	[tilespmem:$0x480] =	vst v63  }
0xbe: {  	_ =	swait.ge [sflag:s2], $0x400  }
0xbf: {  	[sflag:s2] =	ssyncset.done $0x0  }
0xc0: {  	[sflag:s2] =	ssyncadd.s32 $0xFFFFFC00  }
0xc1: {  	_ =	sfence.sel $0x180000  }
0xc2: {  	[bflag:$0x0] =	sbarrier.arrive $0xFFFF  }
0xc3: {  	p0 =	sne.s32 s0, $0x0;
	_ =	strace $0x90000047  }
0xc4: {  	s0 =	sadd.s32 @!p0 $0x100000, s1;
	[bflag:$0x2] =	sbarrier.arrive $0xFFFF  }
0xc5: {  	[sflag:s0] =	ssyncadd.tile.s32 @!p0 $0x1;
	_ =	shalt  }
.LBB2_1:
.Ltmp2:
0xc6: {  	(pc) =	sbr.rel .LBB2_4-.Ltmp2, $3  }
0xc7: {  	_ =	sdelay $0x1  }
0xc8: {  	v6 =	vld [tilespmem:$0x1FF40]  }
0xc9: {  	v5 =	vld [tilespmem:$0x1FF50]  }
.Lfunc_end2:
_tile_overlayer_lowered:
.L_overlay_start_2:
0xca: {  	(tag) =	ssettag $0x2  }
0xcb: {  	s0 =	rddreg [dreg:$0x0];
	s2 =	stileid.u32  }
0xcc: {  	s1 =	rddreg [dreg:$0x1];
	p0 =	sne.s32 s2, $0x0  }
0xcd: {  	s3 =	rddreg [dreg:$0x2];
	[bflag:$0x3] =	sbarrier.arrive $0xFFFF;
	s2 =	simm.s32 @!p0 $0x1C01  }
0xce: {  	[timem:s3], [sflag:s2] =	dma.local @!p0 [hbm:s0], s1  }
0xcf: {  	s0 =	simm.s32 @!p0 $0x1  }
0xd0: {  	_ =	swait.ge @!p0 [sflag:s0], s1  }
0xd1: {  	s1 =	ssub.s32 @!p0 $0x0, s1;
	[sflag:s0] =	ssyncset.done @!p0 $0x0  }
0xd2: {  	[sflag:s0] =	ssyncadd.s32 @!p0 s1  }
0xd3: {  	[bflag:$0x3] =	sbarrier.arrive $0xFFFF  }
0xd4: {  	_ =	shalt  }

</sc_bundles>
